<compile_context>
chip_gen: v7x
topology: tpu7x:2x2x1
jax: 0.10.2.dev20260603
libtpu: 0.0.44.dev20260713+nightly
codegen_flags: <defaults>
</compile_context>

<pallas_src>
import jax
import jax.numpy as jnp
from jax import lax
from jax.experimental import pallas as pl
from jax.experimental.pallas import tpu as pltpu
from jax.experimental.pallas import tpu_sc as plsc

B = 4096
NUM = 13
CAT = 26
FIELDS = 39
VOCAB = 100000
D = 16
H = 400
VG = VOCAB // 16

NC, NS = 2, 16
NW = NC * NS
BPW = B // NW
BCAT = B * CAT
PER_W = BCAT // NW
RPF = BPW * D

BB = 2048


def _sc_gather_e2(qidx, lanes, t2, ridx1, lane1, e1rows, nb):
  mesh = plsc.VectorSubcoreMesh(core_axis_name="c", subcore_axis_name="s",
                                num_cores=NC, num_subcores=NS)
  bpw = nb // NW
  rpf = bpw * D

  E1H = PER_W // 2

  def body(qidx_hbm, lane_hbm, t2_hbm, ridx1_hbm, lane1_hbm, t1_hbm,
           ecatT_hbm, w_hbm, qidx_v, lane_v, w16, colbuf, ridx_v, lane1_v,
           w16b, w_v, sem0, sem1, sem2):
    li = lax.iota(jnp.int32, 16)
    wid = lax.axis_index("s") * NC + lax.axis_index("c")
    b0 = wid * bpw
    base1 = wid * PER_W
    sems = (sem0, sem1)

    def e1_fire(off):
      pltpu.sync_copy(ridx1_hbm.at[pl.ds(base1 + off, E1H)], ridx_v)
      pltpu.sync_copy(lane1_hbm.at[pl.ds(base1 + off, E1H)], lane1_v)

      def ch(c, _):
        pltpu.async_copy(t1_hbm.at[ridx_v.at[pl.ds(c * 128, 128)]],
                         w16b.at[pl.ds(c * 128, 128)], sem2)
        return 0

      lax.fori_loop(0, E1H // 128, ch, 0)

    def e1_drain_pick(off):
      pltpu.make_async_copy(t1_hbm.at[pl.ds(0, E1H)], w16b, sem2).wait()

      def pick(t, _):
        lane = lane1_v[pl.ds(t * 16, 16)]
        row = t * 16 + lax.iota(jnp.int32, 16)
        w_v[pl.ds(off + t * 16, 16)] = plsc.load_gather(w16b, [row, lane])
        return 0

      lax.fori_loop(0, E1H // 16, pick, 0)

    def fire(f, p):
      pltpu.sync_copy(qidx_hbm.at[f, pl.ds(b0 * D, rpf)],
                      qidx_v.at[pl.ds(p * rpf, rpf)])
      pltpu.sync_copy(lane_hbm.at[f, pl.ds(b0, bpw)],
                      lane_v.at[pl.ds(p * bpw, bpw)])

      def chunk(c, _):
        pltpu.async_copy(t2_hbm.at[qidx_v.at[pl.ds(p * rpf + c * 128, 128)]],
                         w16.at[pl.ds(p * rpf + c * 128, 128)], sems[p])
        return 0

      lax.fori_loop(0, rpf // 128, chunk, 0)

    def drain_sel_out(f, p):
      pltpu.make_async_copy(t2_hbm.at[pl.ds(0, rpf)],
                            w16.at[pl.ds(p * rpf, rpf)], sems[p]).wait()

      def select(t, _):
        lane_chunk = lane_v[pl.ds(p * bpw + t * 16, 16)]
        rbase = p * rpf + 256 * t + li * 16
        for d in range(D):
          vals = plsc.load_gather(w16, [rbase + d, lane_chunk])
          colbuf[d, pl.ds(t * 16, 16)] = vals
        return 0

      lax.fori_loop(0, bpw // 16, select, 0)
      pltpu.sync_copy(colbuf, ecatT_hbm.at[pl.ds(16 * f, 16), pl.ds(b0, bpw)])

    def pair(k, _):
      f0 = 2 * k
      fire(f0, 0)

      @pl.when(k > 0)
      def _():
        drain_sel_out(f0 - 1, 1)

      fire(f0 + 1, 1)
      drain_sel_out(f0, 0)
      return 0

    e1_fire(0)
    lax.fori_loop(0, CAT // 2, pair, 0)
    drain_sel_out(CAT - 1, 1)
    e1_drain_pick(0)
    e1_fire(E1H)
    e1_drain_pick(E1H)
    pltpu.sync_copy(w_v, w_hbm.at[pl.ds(base1, PER_W)])

  return pl.kernel(
      body,
      out_type=[jax.ShapeDtypeStruct((CAT * D, nb), jnp.float32),
                jax.ShapeDtypeStruct((BCAT,), jnp.float32)],
      mesh=mesh,
      compiler_params=pltpu.CompilerParams(use_tc_tiling_on_sc=False,
                                           needs_layout_passes=False),
      scratch_types=[pltpu.VMEM((2 * rpf,), jnp.int32),
                     pltpu.VMEM((2 * bpw,), jnp.int32),
                     pltpu.VMEM((2 * rpf, 16), jnp.float32),
                     pltpu.VMEM((D, bpw), jnp.float32),
                     pltpu.VMEM((PER_W // 2,), jnp.int32),
                     pltpu.VMEM((PER_W // 2,), jnp.int32),
                     pltpu.VMEM((PER_W // 2, 16), jnp.float32),
                     pltpu.VMEM((PER_W,), jnp.float32),
                     pltpu.SemaphoreType.DMA,
                     pltpu.SemaphoreType.DMA,
                     pltpu.SemaphoreType.DMA],
  )(qidx, lanes, t2, ridx1, lane1, e1rows)


def _sc_gather_e1(flat_idx, row_idx, emb1_rows):
  mesh = plsc.VectorSubcoreMesh(core_axis_name="c", subcore_axis_name="s",
                                num_cores=NC, num_subcores=NS)
  CH = 128
  NCH = PER_W // CH

  def body(idx_hbm, ridx_hbm, t1_hbm, w_hbm, idx_v, ridx_v, w16_v, w_v, sem):
    wid = lax.axis_index("s") * NC + lax.axis_index("c")
    base = wid * PER_W
    pltpu.sync_copy(idx_hbm.at[pl.ds(base, PER_W)], idx_v)
    pltpu.sync_copy(ridx_hbm.at[pl.ds(base, PER_W)], ridx_v)
    copies = []
    for c in range(NCH):
      sl = pl.ds(c * CH, CH)
      copies.append(pltpu.async_copy(t1_hbm.at[ridx_v.at[sl]], w16_v.at[sl], sem))
    for c in copies:
      c.wait()

    def pick(t, _):
      sl = pl.ds(t * 16, 16)
      lane = idx_v[sl] & 15
      row = t * 16 + lax.iota(jnp.int32, 16)
      w_v[sl] = plsc.load_gather(w16_v, [row, lane])
      return 0

    lax.fori_loop(0, PER_W // 16, pick, 0)
    pltpu.sync_copy(w_v, w_hbm.at[pl.ds(base, PER_W)])

  return pl.kernel(
      body,
      out_type=jax.ShapeDtypeStruct((BCAT,), jnp.float32),
      mesh=mesh,
      compiler_params=pltpu.CompilerParams(use_tc_tiling_on_sc=False,
                                           needs_layout_passes=False),
      scratch_types=[pltpu.VMEM((PER_W,), jnp.int32),
                     pltpu.VMEM((PER_W,), jnp.int32),
                     pltpu.VMEM((PER_W, 16), jnp.float32),
                     pltpu.VMEM((PER_W,), jnp.float32),
                     pltpu.SemaphoreType.DMA],
  )(flat_idx, row_idx, emb1_rows)


def _tc_body(ecatT, fc, xvnT, E, emb2n, w1n, W1n, W1c, b1, W2, b2, W3, b3,
             Wout, const, out):
  f32 = jnp.float32
  c00 = ((0,), (0,))
  dg = lambda a, b: lax.dot_general(a, b, (c00, ((), ())),
                                    preferred_element_type=f32)
  ec = ecatT[...]
  xv = xvnT[...]
  xnum = dg(E[...], xv)
  h = jnp.maximum(dg(W1n[...], xnum) + dg(W1c[...], ec) + b1[...], 0.0)
  h = jnp.maximum(dg(W2[...], h) + b2[...], 0.0)
  h = jnp.maximum(dg(W3[...], h) + b3[...], 0.0)
  deep = dg(Wout[...], h)
  ri = lax.broadcasted_iota(jnp.int32, (CAT * D, D), 0)
  ci = lax.broadcasted_iota(jnp.int32, (CAT * D, D), 1)
  S = jnp.where(ri % D == ci, 1.0, 0.0).astype(f32)
  e2n = emb2n[...]
  s_vec = dg(e2n, xv) + dg(S, ec)
  q_vec = dg(e2n * e2n, xv * xv) + dg(S, ec * ec)
  fm2 = 0.5 * jnp.sum(s_vec * s_vec - q_vec, axis=0, keepdims=True)
  ones = jnp.full((1, CAT), 1.0, dtype=f32)
  fm1 = dg(w1n[...], xv) + lax.dot_general(ones, fc[...], (((1,), (1,)), ((), ())),
                                           preferred_element_type=f32)
  out[...] = const[...] + fm1 + fm2 + deep


def _tc_dense(ecatT, fc, xvnT, E, emb2n, w1n, W1n, W1c, b1, W2, b2, W3, b3,
              Wout, const, nb):
  grid = (nb // BB,)
  full = lambda shape: pl.BlockSpec(shape, lambda i: (0, 0))
  return pl.pallas_call(
      _tc_body,
      grid=grid,
      in_specs=[
          pl.BlockSpec((CAT * D, BB), lambda i: (0, i)),
          pl.BlockSpec((BB, CAT), lambda i: (i, 0)),
          pl.BlockSpec((NUM, BB), lambda i: (0, i)),
          full((NUM, NUM * D)),
          full((NUM, D)),
          full((NUM, 1)),
          full((NUM * D, H)),
          full((CAT * D, H)),
          full((H, 1)),
          full((H, H)),
          full((H, 1)),
          full((H, H)),
          full((H, 1)),
          full((H, 1)),
          full((1, 1)),
      ],
      out_specs=pl.BlockSpec((1, BB), lambda i: (0, i)),
      out_shape=jax.ShapeDtypeStruct((1, nb), jnp.float32),
  )(ecatT, fc, xvnT, E, emb2n, w1n, W1n, W1c, b1, W2, b2, W3, b3, Wout, const)


def kernel(Xi, Xv, w1_num, emb1_cat, emb2_num, emb2_cat, W1, b1, W2, b2, W3,
           b3, Wout, bout, bias):
  f32 = jnp.float32
  idx = Xi[:, :, 0].astype(jnp.int32)
  fdbase = (jnp.arange(CAT, dtype=jnp.int32)[:, None, None] * D
            + jnp.arange(D, dtype=jnp.int32)[None, None, :]) * VG
  qidx = (fdbase + (idx.T[:, :, None] >> 4)).reshape(CAT, B * D)
  lanes = (idx.T & 15)
  t2 = emb2_cat.transpose(0, 2, 1).reshape(CAT * D * VG, 16)

  flat_idx = (idx + jnp.arange(CAT, dtype=jnp.int32)[None, :] * VOCAB).reshape(-1)
  emb1_rows = emb1_cat.reshape(CAT * VOCAB // 16, 16)

  xvnT = Xv[:, :NUM].T
  E = (jnp.eye(NUM, dtype=f32)[:, :, None] * emb2_num[None, :, :]).reshape(NUM, NUM * D)
  W1n = W1[:NUM * D, :]
  W1c = W1[NUM * D:, :]
  const = (bias[0] + bout[0]).reshape(1, 1)

  ecatT, w = _sc_gather_e2(qidx, lanes, t2, flat_idx >> 4, flat_idx & 15,
                           emb1_rows, B)
  fc = w.reshape(B, CAT)
  out = _tc_dense(ecatT, fc, xvnT, E, emb2_num, w1_num, W1n, W1c,
                  b1.reshape(H, 1), W2, b2.reshape(H, 1), W3, b3.reshape(H, 1),
                  Wout, const, B)
  return out[0]

# --- scband reference (transcript-rebuilt; emitter-appended) ---
"""Pipeline reference for scband-deep-fms-18339510354706 (READ-ONLY COPY).

The authoritative reference and input builder live on the scoring server;
editing this copy changes nothing except your own understanding.
"""

import jax, jax.numpy as jnp
import numpy as np

B = 4096
NUM = 13
CAT = 26
FIELDS = 39
VOCAB = 100000
D = 16
H = 400


def setup_inputs(seed: int = 0) -> dict:
    key = jax.random.key(seed)
    ks = jax.random.split(key, 12)
    Xi = jax.random.randint(ks[0], (B, CAT, 1), 0, VOCAB, dtype=jnp.int64) if jax.config.jax_enable_x64 else jax.random.randint(ks[0], (B, CAT, 1), 0, VOCAB)
    Xv = jax.random.uniform(ks[1], (B, FIELDS), dtype=jnp.float32)
    w1_num = jax.random.normal(ks[2], (NUM, 1), dtype=jnp.float32) * 0.01
    emb1_cat = jax.random.normal(ks[3], (CAT, VOCAB), dtype=jnp.float32) * 0.01
    emb2_num = jax.random.normal(ks[4], (NUM, D), dtype=jnp.float32) * 0.01
    emb2_cat = jax.random.normal(ks[5], (CAT, VOCAB, D), dtype=jnp.float32) * 0.01
    W1 = jax.random.normal(ks[6], (FIELDS * D, H), dtype=jnp.float32) * (1.0 / np.sqrt(FIELDS * D))
    b1 = jnp.zeros((H,), dtype=jnp.float32)
    W2 = jax.random.normal(ks[7], (H, H), dtype=jnp.float32) * (1.0 / np.sqrt(H))
    b2 = jnp.zeros((H,), dtype=jnp.float32)
    W3 = jax.random.normal(ks[8], (H, H), dtype=jnp.float32) * (1.0 / np.sqrt(H))
    b3 = jnp.zeros((H,), dtype=jnp.float32)
    Wout = jax.random.normal(ks[9], (H, 1), dtype=jnp.float32) * (1.0 / np.sqrt(H))
    bout = jnp.zeros((1,), dtype=jnp.float32)
    bias = jnp.array([0.01], dtype=jnp.float32)
    return {"Xi": Xi, "Xv": Xv, "w1_num": w1_num, "emb1_cat": emb1_cat, "emb2_num": emb2_num,
            "emb2_cat": emb2_cat, "W1": W1, "b1": b1, "W2": W2, "b2": b2, "W3": W3, "b3": b3,
            "Wout": Wout, "bout": bout, "bias": bias}


def reference(Xi, Xv, w1_num, emb1_cat, emb2_num, emb2_cat, W1, b1, W2, b2, W3, b3, Wout, bout, bias):
    # DeepFM forward (fm + deep), eval mode (dropout disabled, dropout_shallow=[0,0]).
    idx = Xi[:, :, 0]                      # [B, CAT]
    f = jnp.arange(CAT)
    # first order: numerical fields use the single-row embedding scaled by Xv;
    # categorical fields gather their weight by index (Xv implicitly 1 for one-hot fields).
    first_num = Xv[:, :NUM] * w1_num[:, 0][None, :]            # [B, NUM]
    first_cat = emb1_cat[f[None, :], idx]                      # gather -> [B, CAT]
    fm_first = jnp.concatenate([first_num, first_cat], axis=1)  # [B, FIELDS]
    # second order embeddings
    e_num = Xv[:, :NUM, None] * emb2_num[None, :, :]           # [B, NUM, D]
    e_cat = emb2_cat[f[None, :], idx]                          # gather -> [B, CAT, D]
    e = jnp.concatenate([e_num, e_cat], axis=1)                # [B, FIELDS, D]
    s = jnp.sum(e, axis=1)                                     # [B, D]
    fm_second = 0.5 * (s * s - jnp.sum(e * e, axis=1))         # [B, D]
    # deep part
    x = e.reshape(e.shape[0], FIELDS * D)
    x = jax.nn.relu(x @ W1 + b1)
    x = jax.nn.relu(x @ W2 + b2)
    x = jax.nn.relu(x @ W3 + b3)
    deep = (x @ Wout + bout)[:, 0]
    total = bias[0] + jnp.sum(fm_first, axis=1) + jnp.sum(fm_second, axis=1) + deep
    return total

if __name__ == "__main__":
    import jax
    _d = setup_inputs()
    print(jax.jit(kernel)(*tuple(_d.values())))

</pallas_src>

<mosaic_0001>
#map = affine_map<(d0, d1) -> (0, 0)>
#map1 = affine_map<(d0, d1) -> (0)>
module attributes {stable_mosaic.version = 14 : i64} {
  func.func @body(%arg0: i32, %arg1: i32, %arg2: memref<26x65536xi32, #tpu.memory_space<hbm>>, %arg3: memref<26x4096xi32, #tpu.memory_space<hbm>>, %arg4: memref<2600000x16xf32, #tpu.memory_space<hbm>>, %arg5: memref<106496xi32, #tpu.memory_space<hbm>>, %arg6: memref<106496xi32, #tpu.memory_space<hbm>>, %arg7: memref<162500x16xf32, #tpu.memory_space<hbm>>, %arg8: memref<416x4096xf32, #tpu.memory_space<hbm>>, %arg9: memref<106496xf32, #tpu.memory_space<hbm>>, %arg10: memref<4096xi32, #tpu.memory_space<vmem>>, %arg11: memref<256xi32, #tpu.memory_space<vmem>>, %arg12: memref<4096x16xf32, #tpu.memory_space<vmem>>, %arg13: memref<16x128xf32, #tpu.memory_space<vmem>>, %arg14: memref<1664xi32, #tpu.memory_space<vmem>>, %arg15: memref<1664xi32, #tpu.memory_space<vmem>>, %arg16: memref<1664x16xf32, #tpu.memory_space<vmem>>, %arg17: memref<3328xf32, #tpu.memory_space<vmem>>, %arg18: memref<!tpu.dma_semaphore, #tpu.memory_space<semaphore_mem>>, %arg19: memref<!tpu.dma_semaphore, #tpu.memory_space<semaphore_mem>>, %arg20: memref<!tpu.dma_semaphore, #tpu.memory_space<semaphore_mem>>) attributes {dimension_semantics = [#tpu.dimension_semantics<core_parallel>, #tpu.dimension_semantics<subcore_parallel>], iteration_bounds = array<i64: 2, 16>, scalar_prefetch = 0 : i64, scratch_operands = 11 : i64, tpu.core_type = #tpu.core_type<sc_vector_subcore>, window_params = [{transform_indices = #map}, {transform_indices = #map}, {transform_indices = #map}, {transform_indices = #map1}, {transform_indices = #map1}, {transform_indices = #map}, {transform_indices = #map}, {transform_indices = #map1}]} {
    %iota3A = tpu.iota {dimensions = array<i32: 0>} : vector<16xi32>
    %mul3A = arith.constant 2 : i32
    %mul3A_0 = arith.muli %arg1, %mul3A : i32
    %add3A = arith.addi %mul3A_0, %arg0 : i32
    %mul3A_1 = arith.constant 128 : i32
    %mul3A_2 = arith.muli %add3A, %mul3A_1 : i32
    %mul3A_3 = arith.constant 3328 : i32
    %mul3A_4 = arith.muli %add3A, %mul3A_3 : i32
    %add3A_5 = arith.constant 0 : i32
    %add3A_6 = arith.addi %mul3A_4, %add3A_5 : i32
    "tpu.region"() ({
      %run_scoped3A = tpu.sem_alloc : memref<!tpu.dma_semaphore, #tpu.memory_space<semaphore_mem>>
      %dma_start3A = tpu.memref_slice %arg5[%add3A_6] : memref<106496xi32, #tpu.memory_space<hbm>> -> memref<1664xi32, #tpu.memory_space<hbm>>
      %dma_start3A_77 = tpu.memref_slice %arg5[%add3A_6] : memref<106496xi32, #tpu.memory_space<hbm>> -> memref<1664xi32, #tpu.memory_space<hbm>>
      tpu.enqueue_dma source(%dma_start3A_77 : memref<1664xi32, #tpu.memory_space<hbm>>) target(%arg14 : memref<1664xi32, #tpu.memory_space<vmem>>) target_semaphore(%run_scoped3A : memref<!tpu.dma_semaphore, #tpu.memory_space<semaphore_mem>>)
      %dma_wait3A_78 = tpu.memref_slice %arg5[%add3A_6] : memref<106496xi32, #tpu.memory_space<hbm>> -> memref<1664xi32, #tpu.memory_space<hbm>>
      %dma_wait3A_79 = tpu.memref_slice %arg5[%add3A_6] : memref<106496xi32, #tpu.memory_space<hbm>> -> memref<1664xi32, #tpu.memory_space<hbm>>
      tpu.wait_dma2 semaphore(%run_scoped3A : memref<!tpu.dma_semaphore, #tpu.memory_space<semaphore_mem>>) src(%dma_wait3A_79 : memref<1664xi32, #tpu.memory_space<hbm>>) dst(%arg14 : memref<1664xi32, #tpu.memory_space<vmem>>)
      tpu.yield
    }) : () -> ()
    %add3A_7 = arith.constant 0 : i32
    %add3A_8 = arith.addi %mul3A_4, %add3A_7 : i32
    "tpu.region"() ({
      %run_scoped3A = tpu.sem_alloc : memref<!tpu.dma_semaphore, #tpu.memory_space<semaphore_mem>>
      %dma_start3A = tpu.memref_slice %arg6[%add3A_8] : memref<106496xi32, #tpu.memory_space<hbm>> -> memref<1664xi32, #tpu.memory_space<hbm>>
      %dma_start3A_77 = tpu.memref_slice %arg6[%add3A_8] : memref<106496xi32, #tpu.memory_space<hbm>> -> memref<1664xi32, #tpu.memory_space<hbm>>
      tpu.enqueue_dma source(%dma_start3A_77 : memref<1664xi32, #tpu.memory_space<hbm>>) target(%arg15 : memref<1664xi32, #tpu.memory_space<vmem>>) target_semaphore(%run_scoped3A : memref<!tpu.dma_semaphore, #tpu.memory_space<semaphore_mem>>)
      %dma_wait3A_78 = tpu.memref_slice %arg6[%add3A_8] : memref<106496xi32, #tpu.memory_space<hbm>> -> memref<1664xi32, #tpu.memory_space<hbm>>
      %dma_wait3A_79 = tpu.memref_slice %arg6[%add3A_8] : memref<106496xi32, #tpu.memory_space<hbm>> -> memref<1664xi32, #tpu.memory_space<hbm>>
      tpu.wait_dma2 semaphore(%run_scoped3A : memref<!tpu.dma_semaphore, #tpu.memory_space<semaphore_mem>>) src(%dma_wait3A_79 : memref<1664xi32, #tpu.memory_space<hbm>>) dst(%arg15 : memref<1664xi32, #tpu.memory_space<vmem>>)
      tpu.yield
    }) : () -> ()
    %scan3A = arith.constant 0 : i32
    %scan3A_9 = arith.constant 0 : i32
    %scan3A_10 = arith.constant 13 : i32
    %scan3A_11 = arith.addi %scan3A_9, %scan3A_10 : i32
    %scan3A_12 = arith.constant 1 : i32
    %scan3A_13 = scf.for %scan3A_77 = %scan3A_9 to %scan3A_11 step %scan3A_12 iter_args(%scan3A_78 = %scan3A) -> (i32)  : i32 {
      %mul3A_79 = arith.constant 128 : i32
      %mul3A_80 = arith.muli %scan3A_77, %mul3A_79 : i32
      %mul3A_81 = arith.constant 128 : i32
      %mul3A_82 = arith.muli %scan3A_77, %mul3A_81 : i32
      %dma_start3A = arith.constant 0 : i32
      %dma_start3A_83 = tpu.memref_slice %arg16[%mul3A_82, %dma_start3A] : memref<1664x16xf32, #tpu.memory_space<vmem>> -> memref<128x16xf32, #tpu.memory_space<vmem>>
      %dma_start3A_84 = tpu.memref_slice %arg14[%mul3A_80] : memref<1664xi32, #tpu.memory_space<vmem>> -> memref<128xi32, #tpu.memory_space<vmem>>
      %dma_start3A_85 = arith.constant 0 : i32
      %dma_start3A_86 = arith.constant 0 : i32
      %dma_start3A_87 = tpu.memref_slice %arg7[%dma_start3A_85, %dma_start3A_86] : memref<162500x16xf32, #tpu.memory_space<hbm>> -> memref<162500x16xf32, #tpu.memory_space<hbm>>
      tpu.enqueue_indirect_dma source(%dma_start3A_87 : memref<162500x16xf32, #tpu.memory_space<hbm>>) target(%dma_start3A_83 : memref<128x16xf32, #tpu.memory_space<vmem>>) offsets(%dma_start3A_84 : memref<128xi32, #tpu.memory_space<vmem>>) semaphore(%arg20 : memref<!tpu.dma_semaphore, #tpu.memory_space<semaphore_mem>>)
      %scan3A_88 = arith.constant 0 : i32
      scf.yield %scan3A_88 : i32
    }
    %scan3A_14 = arith.constant 13 : i32
    %scan3A_15 = arith.constant 0 : i32
    %scan3A_16 = arith.constant 0 : i32
    %scan3A_17 = arith.constant 13 : i32
    %scan3A_18 = arith.addi %scan3A_16, %scan3A_17 : i32
    %scan3A_19 = arith.constant 1 : i32
    %scan3A_20 = scf.for %scan3A_77 = %scan3A_16 to %scan3A_18 step %scan3A_19 iter_args(%scan3A_78 = %scan3A_15) -> (i32)  : i32 {
      %mul3A_79 = arith.constant 2 : i32
      %mul3A_80 = arith.muli %mul3A_79, %scan3A_77 : i32
      %mul3A_81 = arith.constant 16 : i32
      %mul3A_82 = arith.muli %mul3A_2, %mul3A_81 : i32
      "tpu.region"() ({
        %run_scoped3A = tpu.sem_alloc : memref<!tpu.dma_semaphore, #tpu.memory_space<semaphore_mem>>
        %dma_start3A = arith.constant 0 : i32
        %dma_start3A_125 = tpu.memref_slice %arg10[%dma_start3A] : memref<4096xi32, #tpu.memory_space<vmem>> -> memref<2048xi32, #tpu.memory_space<vmem>>
        %dma_start3A_126 = tpu.memref_slice %arg2[%mul3A_80, %mul3A_82] : memref<26x65536xi32, #tpu.memory_space<hbm>> -> memref<1x2048xi32, #tpu.memory_space<hbm>>
        %dma_start3A_127 = tpu.memref_squeeze %dma_start3A_126 : memref<1x2048xi32, #tpu.memory_space<hbm>> -> memref<2048xi32, #tpu.memory_space<hbm>>
        %dma_start3A_128 = arith.constant 0 : i32
        %dma_start3A_129 = tpu.memref_slice %arg10[%dma_start3A_128] : memref<4096xi32, #tpu.memory_space<vmem>> -> memref<2048xi32, #tpu.memory_space<vmem>>
        %dma_start3A_130 = tpu.memref_slice %arg2[%mul3A_80, %mul3A_82] : memref<26x65536xi32, #tpu.memory_space<hbm>> -> memref<1x2048xi32, #tpu.memory_space<hbm>>
        %dma_start3A_131 = tpu.memref_squeeze %dma_start3A_130 : memref<1x2048xi32, #tpu.memory_space<hbm>> -> memref<2048xi32, #tpu.memory_space<hbm>>
        tpu.enqueue_dma source(%dma_start3A_131 : memref<2048xi32, #tpu.memory_space<hbm>>) target(%dma_start3A_129 : memref<2048xi32, #tpu.memory_space<vmem>>) target_semaphore(%run_scoped3A : memref<!tpu.dma_semaphore, #tpu.memory_space<semaphore_mem>>)
        %dma_wait3A_132 = arith.constant 0 : i32
        %dma_wait3A_133 = tpu.memref_slice %arg10[%dma_wait3A_132] : memref<4096xi32, #tpu.memory_space<vmem>> -> memref<2048xi32, #tpu.memory_space<vmem>>
        %dma_wait3A_134 = tpu.memref_slice %arg2[%mul3A_80, %mul3A_82] : memref<26x65536xi32, #tpu.memory_space<hbm>> -> memref<1x2048xi32, #tpu.memory_space<hbm>>
        %dma_wait3A_135 = tpu.memref_squeeze %dma_wait3A_134 : memref<1x2048xi32, #tpu.memory_space<hbm>> -> memref<2048xi32, #tpu.memory_space<hbm>>
        %dma_wait3A_136 = arith.constant 0 : i32
        %dma_wait3A_137 = tpu.memref_slice %arg10[%dma_wait3A_136] : memref<4096xi32, #tpu.memory_space<vmem>> -> memref<2048xi32, #tpu.memory_space<vmem>>
        %dma_wait3A_138 = tpu.memref_slice %arg2[%mul3A_80, %mul3A_82] : memref<26x65536xi32, #tpu.memory_space<hbm>> -> memref<1x2048xi32, #tpu.memory_space<hbm>>
        %dma_wait3A_139 = tpu.memref_squeeze %dma_wait3A_138 : memref<1x2048xi32, #tpu.memory_space<hbm>> -> memref<2048xi32, #tpu.memory_space<hbm>>
        tpu.wait_dma2 semaphore(%run_scoped3A : memref<!tpu.dma_semaphore, #tpu.memory_space<semaphore_mem>>) src(%dma_wait3A_139 : memref<2048xi32, #tpu.memory_space<hbm>>) dst(%dma_wait3A_137 : memref<2048xi32, #tpu.memory_space<vmem>>)
        tpu.yield
      }) : () -> ()
      "tpu.region"() ({
        %run_scoped3A = tpu.sem_alloc : memref<!tpu.dma_semaphore, #tpu.memory_space<semaphore_mem>>
        %dma_start3A = arith.constant 0 : i32
        %dma_start3A_125 = tpu.memref_slice %arg11[%dma_start3A] : memref<256xi32, #tpu.memory_space<vmem>> -> memref<128xi32, #tpu.memory_space<vmem>>
        %dma_start3A_126 = tpu.memref_slice %arg3[%mul3A_80, %mul3A_2] : memref<26x4096xi32, #tpu.memory_space<hbm>> -> memref<1x128xi32, #tpu.memory_space<hbm>>
        %dma_start3A_127 = tpu.memref_squeeze %dma_start3A_126 : memref<1x128xi32, #tpu.memory_space<hbm>> -> memref<128xi32, #tpu.memory_space<hbm>>
        %dma_start3A_128 = arith.constant 0 : i32
        %dma_start3A_129 = tpu.memref_slice %arg11[%dma_start3A_128] : memref<256xi32, #tpu.memory_space<vmem>> -> memref<128xi32, #tpu.memory_space<vmem>>
        %dma_start3A_130 = tpu.memref_slice %arg3[%mul3A_80, %mul3A_2] : memref<26x4096xi32, #tpu.memory_space<hbm>> -> memref<1x128xi32, #tpu.memory_space<hbm>>
        %dma_start3A_131 = tpu.memref_squeeze %dma_start3A_130 : memref<1x128xi32, #tpu.memory_space<hbm>> -> memref<128xi32, #tpu.memory_space<hbm>>
        tpu.enqueue_dma source(%dma_start3A_131 : memref<128xi32, #tpu.memory_space<hbm>>) target(%dma_start3A_129 : memref<128xi32, #tpu.memory_space<vmem>>) target_semaphore(%run_scoped3A : memref<!tpu.dma_semaphore, #tpu.memory_space<semaphore_mem>>)
        %dma_wait3A_132 = arith.constant 0 : i32
        %dma_wait3A_133 = tpu.memref_slice %arg11[%dma_wait3A_132] : memref<256xi32, #tpu.memory_space<vmem>> -> memref<128xi32, #tpu.memory_space<vmem>>
        %dma_wait3A_134 = tpu.memref_slice %arg3[%mul3A_80, %mul3A_2] : memref<26x4096xi32, #tpu.memory_space<hbm>> -> memref<1x128xi32, #tpu.memory_space<hbm>>
        %dma_wait3A_135 = tpu.memref_squeeze %dma_wait3A_134 : memref<1x128xi32, #tpu.memory_space<hbm>> -> memref<128xi32, #tpu.memory_space<hbm>>
        %dma_wait3A_136 = arith.constant 0 : i32
        %dma_wait3A_137 = tpu.memref_slice %arg11[%dma_wait3A_136] : memref<256xi32, #tpu.memory_space<vmem>> -> memref<128xi32, #tpu.memory_space<vmem>>
        %dma_wait3A_138 = tpu.memref_slice %arg3[%mul3A_80, %mul3A_2] : memref<26x4096xi32, #tpu.memory_space<hbm>> -> memref<1x128xi32, #tpu.memory_space<hbm>>
        %dma_wait3A_139 = tpu.memref_squeeze %dma_wait3A_138 : memref<1x128xi32, #tpu.memory_space<hbm>> -> memref<128xi32, #tpu.memory_space<hbm>>
        tpu.wait_dma2 semaphore(%run_scoped3A : memref<!tpu.dma_semaphore, #tpu.memory_space<semaphore_mem>>) src(%dma_wait3A_139 : memref<128xi32, #tpu.memory_space<hbm>>) dst(%dma_wait3A_137 : memref<128xi32, #tpu.memory_space<vmem>>)
        tpu.yield
      }) : () -> ()
      %scan3A_83 = arith.constant 0 : i32
      %scan3A_84 = arith.constant 0 : i32
      %scan3A_85 = arith.constant 16 : i32
      %scan3A_86 = arith.addi %scan3A_84, %scan3A_85 : i32
      %scan3A_87 = arith.constant 1 : i32
      %scan3A_88 = scf.for %scan3A_125 = %scan3A_84 to %scan3A_86 step %scan3A_87 iter_args(%scan3A_126 = %scan3A_83) -> (i32)  : i32 {
        %mul3A_127 = arith.constant 128 : i32
        %mul3A_128 = arith.muli %scan3A_125, %mul3A_127 : i32
        %add3A_129 = arith.constant 0 : i32
        %add3A_130 = arith.addi %add3A_129, %mul3A_128 : i32
        %mul3A_131 = arith.constant 128 : i32
        %mul3A_132 = arith.muli %scan3A_125, %mul3A_131 : i32
        %add3A_133 = arith.constant 0 : i32
        %add3A_134 = arith.addi %add3A_133, %mul3A_132 : i32
        %dma_start3A = arith.constant 0 : i32
        %dma_start3A_135 = tpu.memref_slice %arg12[%add3A_134, %dma_start3A] : memref<4096x16xf32, #tpu.memory_space<vmem>> -> memref<128x16xf32, #tpu.memory_space<vmem>>
        %dma_start3A_136 = tpu.memref_slice %arg10[%add3A_130] : memref<4096xi32, #tpu.memory_space<vmem>> -> memref<128xi32, #tpu.memory_space<vmem>>
        %dma_start3A_137 = arith.constant 0 : i32
        %dma_start3A_138 = arith.constant 0 : i32
        %dma_start3A_139 = tpu.memref_slice %arg4[%dma_start3A_137, %dma_start3A_138] : memref<2600000x16xf32, #tpu.memory_space<hbm>> -> memref<2600000x16xf32, #tpu.memory_space<hbm>>
        tpu.enqueue_indirect_dma source(%dma_start3A_139 : memref<2600000x16xf32, #tpu.memory_space<hbm>>) target(%dma_start3A_135 : memref<128x16xf32, #tpu.memory_space<vmem>>) offsets(%dma_start3A_136 : memref<128xi32, #tpu.memory_space<vmem>>) semaphore(%arg18 : memref<!tpu.dma_semaphore, #tpu.memory_space<semaphore_mem>>)
        %scan3A_140 = arith.constant 0 : i32
        scf.yield %scan3A_140 : i32
      }
      %scan3A_89 = arith.constant 16 : i32
      %gt3A = arith.constant 0 : i32
      %gt3A_90 = arith.cmpi sgt, %scan3A_77, %gt3A : i32
      %convert_element_type3A = arith.extui %gt3A_90 : i1 to i32
      %cond3A = arith.constant 0 : i32
      %cond3A_91 = arith.cmpi ne, %convert_element_type3A, %cond3A : i32
      scf.if %cond3A_91 {
        %sub3A = arith.constant 1 : i32
        %sub3A_125 = arith.subi %mul3A_80, %sub3A : i32
        %dma_wait3A_126 = arith.constant 2048 : i32
        %dma_wait3A_127 = arith.constant 0 : i32
        %dma_wait3A_128 = tpu.memref_slice %arg12[%dma_wait3A_126, %dma_wait3A_127] : memref<4096x16xf32, #tpu.memory_space<vmem>> -> memref<2048x16xf32, #tpu.memory_space<vmem>>
        %dma_wait3A_129 = arith.constant 0 : i32
        %dma_wait3A_130 = arith.constant 0 : i32
        %dma_wait3A_131 = tpu.memref_slice %arg4[%dma_wait3A_129, %dma_wait3A_130] : memref<2600000x16xf32, #tpu.memory_space<hbm>> -> memref<2048x16xf32, #tpu.memory_space<hbm>>
        %dma_wait3A_132 = arith.constant 2048 : i32
        %dma_wait3A_133 = arith.constant 0 : i32
        %dma_wait3A_134 = tpu.memref_slice %arg12[%dma_wait3A_132, %dma_wait3A_133] : memref<4096x16xf32, #tpu.memory_space<vmem>> -> memref<2048x16xf32, #tpu.memory_space<vmem>>
        %dma_wait3A_135 = arith.constant 0 : i32
        %dma_wait3A_136 = arith.constant 0 : i32
        %dma_wait3A_137 = tpu.memref_slice %arg4[%dma_wait3A_135, %dma_wait3A_136] : memref<2600000x16xf32, #tpu.memory_space<hbm>> -> memref<2048x16xf32, #tpu.memory_space<hbm>>
        tpu.wait_dma2 semaphore(%arg19 : memref<!tpu.dma_semaphore, #tpu.memory_space<semaphore_mem>>) src(%dma_wait3A_137 : memref<2048x16xf32, #tpu.memory_space<hbm>>) dst(%dma_wait3A_134 : memref<2048x16xf32, #tpu.memory_space<vmem>>)
        %scan3A_138 = arith.constant 0 : i32
        %scan3A_139 = arith.constant 0 : i32
        %scan3A_140 = arith.constant 8 : i32
        %scan3A_141 = arith.addi %scan3A_139, %scan3A_140 : i32
        %scan3A_142 = arith.constant 1 : i32
        %scan3A_143 = scf.for %scan3A_147 = %scan3A_139 to %scan3A_141 step %scan3A_142 iter_args(%scan3A_148 = %scan3A_138) -> (i32)  : i32 {
          %mul3A_149 = arith.constant 16 : i32
          %mul3A_150 = arith.muli %scan3A_147, %mul3A_149 : i32
          %add3A_151 = arith.constant 128 : i32
          %add3A_152 = arith.addi %add3A_151, %mul3A_150 : i32
          %get3A = arith.index_cast %add3A_152 : i32 to index
          %get3A_153 = tpu.vector_load %arg11[%get3A] {strides = array<i32>} : memref<256xi32, #tpu.memory_space<vmem>>, vector<16xi32>,
          %mul3A_154 = arith.constant 256 : i32
          %mul3A_155 = arith.muli %mul3A_154, %scan3A_147 : i32
          %add3A_156 = arith.constant 2048 : i32
          %add3A_157 = arith.addi %add3A_156, %mul3A_155 : i32
          %mul3A_158 = arith.constant 16 : i32
          %mul3A_159 = vector.broadcast %mul3A_158 : i32 to vector<16xi32>
          %mul3A_160 = arith.muli %iota3A, %mul3A_159 : vector<16xi32>
          %add3A_161 = vector.broadcast %add3A_157 : i32 to vector<16xi32>
          %add3A_162 = arith.addi %add3A_161, %mul3A_160 : vector<16xi32>
          %add3A_163 = arith.constant 0 : i32
          %add3A_164 = vector.broadcast %add3A_163 : i32 to vector<16xi32>
          %add3A_165 = arith.addi %add3A_162, %add3A_164 : vector<16xi32>
          %gather3A = tpu.vector_load_idx %arg12[%add3A_165, %get3A_153] : memref<4096x16xf32, #tpu.memory_space<vmem>>[vector<16xi32>, vector<16xi32>], vector<16xf32>,
          %mul3A_166 = arith.constant 16 : i32
          %mul3A_167 = arith.muli %scan3A_147, %mul3A_166 : i32
          %swap3A = arith.constant 0 : i32
          %swap3A_168 = arith.index_cast %swap3A : i32 to index
          %swap3A_169 = arith.index_cast %mul3A_167 : i32 to index
          %swap3A_170 = tpu.vector_load %arg13[%swap3A_168, %swap3A_169] {strides = array<i32>} : memref<16x128xf32, #tpu.memory_space<vmem>>, vector<16xf32>,
          tpu.vector_store %arg13[%swap3A_168, %swap3A_169], %gather3A {strides = array<i32>} : memref<16x128xf32, #tpu.memory_space<vmem>>, vector<16xf32>,
          %add3A_171 = arith.constant 1 : i32
          %add3A_172 = vector.broadcast %add3A_171 : i32 to vector<16xi32>
          %add3A_173 = arith.addi %add3A_162, %add3A_172 : vector<16xi32>
          %gather3A_174 = tpu.vector_load_idx %arg12[%add3A_173, %get3A_153] : memref<4096x16xf32, #tpu.memory_space<vmem>>[vector<16xi32>, vector<16xi32>], vector<16xf32>,
          %mul3A_175 = arith.constant 16 : i32
          %mul3A_176 = arith.muli %scan3A_147, %mul3A_175 : i32
          %swap3A_177 = arith.constant 1 : i32
          %swap3A_178 = arith.index_cast %swap3A_177 : i32 to index
          %swap3A_179 = arith.index_cast %mul3A_176 : i32 to index
          %swap3A_180 = tpu.vector_load %arg13[%swap3A_178, %swap3A_179] {strides = array<i32>} : memref<16x128xf32, #tpu.memory_space<vmem>>, vector<16xf32>,
          tpu.vector_store %arg13[%swap3A_178, %swap3A_179], %gather3A_174 {strides = array<i32>} : memref<16x128xf32, #tpu.memory_space<vmem>>, vector<16xf32>,
          %add3A_181 = arith.constant 2 : i32
          %add3A_182 = vector.broadcast %add3A_181 : i32 to vector<16xi32>
          %add3A_183 = arith.addi %add3A_162, %add3A_182 : vector<16xi32>
          %gather3A_184 = tpu.vector_load_idx %arg12[%add3A_183, %get3A_153] : memref<4096x16xf32, #tpu.memory_space<vmem>>[vector<16xi32>, vector<16xi32>], vector<16xf32>,
          %mul3A_185 = arith.constant 16 : i32
          %mul3A_186 = arith.muli %scan3A_147, %mul3A_185 : i32
          %swap3A_187 = arith.constant 2 : i32
          %swap3A_188 = arith.index_cast %swap3A_187 : i32 to index
          %swap3A_189 = arith.index_cast %mul3A_186 : i32 to index
          %swap3A_190 = tpu.vector_load %arg13[%swap3A_188, %swap3A_189] {strides = array<i32>} : memref<16x128xf32, #tpu.memory_space<vmem>>, vector<16xf32>,
          tpu.vector_store %arg13[%swap3A_188, %swap3A_189], %gather3A_184 {strides = array<i32>} : memref<16x128xf32, #tpu.memory_space<vmem>>, vector<16xf32>,
          %add3A_191 = arith.constant 3 : i32
          %add3A_192 = vector.broadcast %add3A_191 : i32 to vector<16xi32>
          %add3A_193 = arith.addi %add3A_162, %add3A_192 : vector<16xi32>
          %gather3A_194 = tpu.vector_load_idx %arg12[%add3A_193, %get3A_153] : memref<4096x16xf32, #tpu.memory_space<vmem>>[vector<16xi32>, vector<16xi32>], vector<16xf32>,
          %mul3A_195 = arith.constant 16 : i32
          %mul3A_196 = arith.muli %scan3A_147, %mul3A_195 : i32
          %swap3A_197 = arith.constant 3 : i32
          %swap3A_198 = arith.index_cast %swap3A_197 : i32 to index
          %swap3A_199 = arith.index_cast %mul3A_196 : i32 to index
          %swap3A_200 = tpu.vector_load %arg13[%swap3A_198, %swap3A_199] {strides = array<i32>} : memref<16x128xf32, #tpu.memory_space<vmem>>, vector<16xf32>,
          tpu.vector_store %arg13[%swap3A_198, %swap3A_199], %gather3A_194 {strides = array<i32>} : memref<16x128xf32, #tpu.memory_space<vmem>>, vector<16xf32>,
          %add3A_201 = arith.constant 4 : i32
          %add3A_202 = vector.broadcast %add3A_201 : i32 to vector<16xi32>
          %add3A_203 = arith.addi %add3A_162, %add3A_202 : vector<16xi32>
          %gather3A_204 = tpu.vector_load_idx %arg12[%add3A_203, %get3A_153] : memref<4096x16xf32, #tpu.memory_space<vmem>>[vector<16xi32>, vector<16xi32>], vector<16xf32>,
          %mul3A_205 = arith.constant 16 : i32
          %mul3A_206 = arith.muli %scan3A_147, %mul3A_205 : i32
          %swap3A_207 = arith.constant 4 : i32
          %swap3A_208 = arith.index_cast %swap3A_207 : i32 to index
          %swap3A_209 = arith.index_cast %mul3A_206 : i32 to index
          %swap3A_210 = tpu.vector_load %arg13[%swap3A_208, %swap3A_209] {strides = array<i32>} : memref<16x128xf32, #tpu.memory_space<vmem>>, vector<16xf32>,
          tpu.vector_store %arg13[%swap3A_208, %swap3A_209], %gather3A_204 {strides = array<i32>} : memref<16x128xf32, #tpu.memory_space<vmem>>, vector<16xf32>,
          %add3A_211 = arith.constant 5 : i32
          %add3A_212 = vector.broadcast %add3A_211 : i32 to vector<16xi32>
          %add3A_213 = arith.addi %add3A_162, %add3A_212 : vector<16xi32>
          %gather3A_214 = tpu.vector_load_idx %arg12[%add3A_213, %get3A_153] : memref<4096x16xf32, #tpu.memory_space<vmem>>[vector<16xi32>, vector<16xi32>], vector<16xf32>,
          %mul3A_215 = arith.constant 16 : i32
          %mul3A_216 = arith.muli %scan3A_147, %mul3A_215 : i32
          %swap3A_217 = arith.constant 5 : i32
          %swap3A_218 = arith.index_cast %swap3A_217 : i32 to index
          %swap3A_219 = arith.index_cast %mul3A_216 : i32 to index
          %swap3A_220 = tpu.vector_load %arg13[%swap3A_218, %swap3A_219] {strides = array<i32>} : memref<16x128xf32, #tpu.memory_space<vmem>>, vector<16xf32>,
          tpu.vector_store %arg13[%swap3A_218, %swap3A_219], %gather3A_214 {strides = array<i32>} : memref<16x128xf32, #tpu.memory_space<vmem>>, vector<16xf32>,
          %add3A_221 = arith.constant 6 : i32
          %add3A_222 = vector.broadcast %add3A_221 : i32 to vector<16xi32>
          %add3A_223 = arith.addi %add3A_162, %add3A_222 : vector<16xi32>
          %gather3A_224 = tpu.vector_load_idx %arg12[%add3A_223, %get3A_153] : memref<4096x16xf32, #tpu.memory_space<vmem>>[vector<16xi32>, vector<16xi32>], vector<16xf32>,
          %mul3A_225 = arith.constant 16 : i32
          %mul3A_226 = arith.muli %scan3A_147, %mul3A_225 : i32
          %swap3A_227 = arith.constant 6 : i32
          %swap3A_228 = arith.index_cast %swap3A_227 : i32 to index
          %swap3A_229 = arith.index_cast %mul3A_226 : i32 to index
          %swap3A_230 = tpu.vector_load %arg13[%swap3A_228, %swap3A_229] {strides = array<i32>} : memref<16x128xf32, #tpu.memory_space<vmem>>, vector<16xf32>,
          tpu.vector_store %arg13[%swap3A_228, %swap3A_229], %gather3A_224 {strides = array<i32>} : memref<16x128xf32, #tpu.memory_space<vmem>>, vector<16xf32>,
          %add3A_231 = arith.constant 7 : i32
          %add3A_232 = vector.broadcast %add3A_231 : i32 to vector<16xi32>
          %add3A_233 = arith.addi %add3A_162, %add3A_232 : vector<16xi32>
          %gather3A_234 = tpu.vector_load_idx %arg12[%add3A_233, %get3A_153] : memref<4096x16xf32, #tpu.memory_space<vmem>>[vector<16xi32>, vector<16xi32>], vector<16xf32>,
          %mul3A_235 = arith.constant 16 : i32
          %mul3A_236 = arith.muli %scan3A_147, %mul3A_235 : i32
          %swap3A_237 = arith.constant 7 : i32
          %swap3A_238 = arith.index_cast %swap3A_237 : i32 to index
          %swap3A_239 = arith.index_cast %mul3A_236 : i32 to index
          %swap3A_240 = tpu.vector_load %arg13[%swap3A_238, %swap3A_239] {strides = array<i32>} : memref<16x128xf32, #tpu.memory_space<vmem>>, vector<16xf32>,
          tpu.vector_store %arg13[%swap3A_238, %swap3A_239], %gather3A_234 {strides = array<i32>} : memref<16x128xf32, #tpu.memory_space<vmem>>, vector<16xf32>,
          %add3A_241 = arith.constant 8 : i32
          %add3A_242 = vector.broadcast %add3A_241 : i32 to vector<16xi32>
          %add3A_243 = arith.addi %add3A_162, %add3A_242 : vector<16xi32>
          %gather3A_244 = tpu.vector_load_idx %arg12[%add3A_243, %get3A_153] : memref<4096x16xf32, #tpu.memory_space<vmem>>[vector<16xi32>, vector<16xi32>], vector<16xf32>,
          %mul3A_245 = arith.constant 16 : i32
          %mul3A_246 = arith.muli %scan3A_147, %mul3A_245 : i32
          %swap3A_247 = arith.constant 8 : i32
          %swap3A_248 = arith.index_cast %swap3A_247 : i32 to index
          %swap3A_249 = arith.index_cast %mul3A_246 : i32 to index
          %swap3A_250 = tpu.vector_load %arg13[%swap3A_248, %swap3A_249] {strides = array<i32>} : memref<16x128xf32, #tpu.memory_space<vmem>>, vector<16xf32>,
          tpu.vector_store %arg13[%swap3A_248, %swap3A_249], %gather3A_244 {strides = array<i32>} : memref<16x128xf32, #tpu.memory_space<vmem>>, vector<16xf32>,
          %add3A_251 = arith.constant 9 : i32
          %add3A_252 = vector.broadcast %add3A_251 : i32 to vector<16xi32>
          %add3A_253 = arith.addi %add3A_162, %add3A_252 : vector<16xi32>
          %gather3A_254 = tpu.vector_load_idx %arg12[%add3A_253, %get3A_153] : memref<4096x16xf32, #tpu.memory_space<vmem>>[vector<16xi32>, vector<16xi32>], vector<16xf32>,
          %mul3A_255 = arith.constant 16 : i32
          %mul3A_256 = arith.muli %scan3A_147, %mul3A_255 : i32
          %swap3A_257 = arith.constant 9 : i32
          %swap3A_258 = arith.index_cast %swap3A_257 : i32 to index
          %swap3A_259 = arith.index_cast %mul3A_256 : i32 to index
          %swap3A_260 = tpu.vector_load %arg13[%swap3A_258, %swap3A_259] {strides = array<i32>} : memref<16x128xf32, #tpu.memory_space<vmem>>, vector<16xf32>,
          tpu.vector_store %arg13[%swap3A_258, %swap3A_259], %gather3A_254 {strides = array<i32>} : memref<16x128xf32, #tpu.memory_space<vmem>>, vector<16xf32>,
          %add3A_261 = arith.constant 10 : i32
          %add3A_262 = vector.broadcast %add3A_261 : i32 to vector<16xi32>
          %add3A_263 = arith.addi %add3A_162, %add3A_262 : vector<16xi32>
          %gather3A_264 = tpu.vector_load_idx %arg12[%add3A_263, %get3A_153] : memref<4096x16xf32, #tpu.memory_space<vmem>>[vector<16xi32>, vector<16xi32>], vector<16xf32>,
          %mul3A_265 = arith.constant 16 : i32
          %mul3A_266 = arith.muli %scan3A_147, %mul3A_265 : i32
          %swap3A_267 = arith.constant 10 : i32
          %swap3A_268 = arith.index_cast %swap3A_267 : i32 to index
          %swap3A_269 = arith.index_cast %mul3A_266 : i32 to index
          %swap3A_270 = tpu.vector_load %arg13[%swap3A_268, %swap3A_269] {strides = array<i32>} : memref<16x128xf32, #tpu.memory_space<vmem>>, vector<16xf32>,
          tpu.vector_store %arg13[%swap3A_268, %swap3A_269], %gather3A_264 {strides = array<i32>} : memref<16x128xf32, #tpu.memory_space<vmem>>, vector<16xf32>,
          %add3A_271 = arith.constant 11 : i32
          %add3A_272 = vector.broadcast %add3A_271 : i32 to vector<16xi32>
          %add3A_273 = arith.addi %add3A_162, %add3A_272 : vector<16xi32>
          %gather3A_274 = tpu.vector_load_idx %arg12[%add3A_273, %get3A_153] : memref<4096x16xf32, #tpu.memory_space<vmem>>[vector<16xi32>, vector<16xi32>], vector<16xf32>,
          %mul3A_275 = arith.constant 16 : i32
          %mul3A_276 = arith.muli %scan3A_147, %mul3A_275 : i32
          %swap3A_277 = arith.constant 11 : i32
          %swap3A_278 = arith.index_cast %swap3A_277 : i32 to index
          %swap3A_279 = arith.index_cast %mul3A_276 : i32 to index
          %swap3A_280 = tpu.vector_load %arg13[%swap3A_278, %swap3A_279] {strides = array<i32>} : memref<16x128xf32, #tpu.memory_space<vmem>>, vector<16xf32>,
          tpu.vector_store %arg13[%swap3A_278, %swap3A_279], %gather3A_274 {strides = array<i32>} : memref<16x128xf32, #tpu.memory_space<vmem>>, vector<16xf32>,
          %add3A_281 = arith.constant 12 : i32
          %add3A_282 = vector.broadcast %add3A_281 : i32 to vector<16xi32>
          %add3A_283 = arith.addi %add3A_162, %add3A_282 : vector<16xi32>
          %gather3A_284 = tpu.vector_load_idx %arg12[%add3A_283, %get3A_153] : memref<4096x16xf32, #tpu.memory_space<vmem>>[vector<16xi32>, vector<16xi32>], vector<16xf32>,
          %mul3A_285 = arith.constant 16 : i32
          %mul3A_286 = arith.muli %scan3A_147, %mul3A_285 : i32
          %swap3A_287 = arith.constant 12 : i32
          %swap3A_288 = arith.index_cast %swap3A_287 : i32 to index
          %swap3A_289 = arith.index_cast %mul3A_286 : i32 to index
          %swap3A_290 = tpu.vector_load %arg13[%swap3A_288, %swap3A_289] {strides = array<i32>} : memref<16x128xf32, #tpu.memory_space<vmem>>, vector<16xf32>,
          tpu.vector_store %arg13[%swap3A_288, %swap3A_289], %gather3A_284 {strides = array<i32>} : memref<16x128xf32, #tpu.memory_space<vmem>>, vector<16xf32>,
          %add3A_291 = arith.constant 13 : i32
          %add3A_292 = vector.broadcast %add3A_291 : i32 to vector<16xi32>
          %add3A_293 = arith.addi %add3A_162, %add3A_292 : vector<16xi32>
          %gather3A_294 = tpu.vector_load_idx %arg12[%add3A_293, %get3A_153] : memref<4096x16xf32, #tpu.memory_space<vmem>>[vector<16xi32>, vector<16xi32>], vector<16xf32>,
          %mul3A_295 = arith.constant 16 : i32
          %mul3A_296 = arith.muli %scan3A_147, %mul3A_295 : i32
          %swap3A_297 = arith.constant 13 : i32
          %swap3A_298 = arith.index_cast %swap3A_297 : i32 to index
          %swap3A_299 = arith.index_cast %mul3A_296 : i32 to index
          %swap3A_300 = tpu.vector_load %arg13[%swap3A_298, %swap3A_299] {strides = array<i32>} : memref<16x128xf32, #tpu.memory_space<vmem>>, vector<16xf32>,
          tpu.vector_store %arg13[%swap3A_298, %swap3A_299], %gather3A_294 {strides = array<i32>} : memref<16x128xf32, #tpu.memory_space<vmem>>, vector<16xf32>,
          %add3A_301 = arith.constant 14 : i32
          %add3A_302 = vector.broadcast %add3A_301 : i32 to vector<16xi32>
          %add3A_303 = arith.addi %add3A_162, %add3A_302 : vector<16xi32>
          %gather3A_304 = tpu.vector_load_idx %arg12[%add3A_303, %get3A_153] : memref<4096x16xf32, #tpu.memory_space<vmem>>[vector<16xi32>, vector<16xi32>], vector<16xf32>,
          %mul3A_305 = arith.constant 16 : i32
          %mul3A_306 = arith.muli %scan3A_147, %mul3A_305 : i32
          %swap3A_307 = arith.constant 14 : i32
          %swap3A_308 = arith.index_cast %swap3A_307 : i32 to index
          %swap3A_309 = arith.index_cast %mul3A_306 : i32 to index
          %swap3A_310 = tpu.vector_load %arg13[%swap3A_308, %swap3A_309] {strides = array<i32>} : memref<16x128xf32, #tpu.memory_space<vmem>>, vector<16xf32>,
          tpu.vector_store %arg13[%swap3A_308, %swap3A_309], %gather3A_304 {strides = array<i32>} : memref<16x128xf32, #tpu.memory_space<vmem>>, vector<16xf32>,
          %add3A_311 = arith.constant 15 : i32
          %add3A_312 = vector.broadcast %add3A_311 : i32 to vector<16xi32>
          %add3A_313 = arith.addi %add3A_162, %add3A_312 : vector<16xi32>
          %gather3A_314 = tpu.vector_load_idx %arg12[%add3A_313, %get3A_153] : memref<4096x16xf32, #tpu.memory_space<vmem>>[vector<16xi32>, vector<16xi32>], vector<16xf32>,
          %mul3A_315 = arith.constant 16 : i32
          %mul3A_316 = arith.muli %scan3A_147, %mul3A_315 : i32
          %swap3A_317 = arith.constant 15 : i32
          %swap3A_318 = arith.index_cast %swap3A_317 : i32 to index
          %swap3A_319 = arith.index_cast %mul3A_316 : i32 to index
          %swap3A_320 = tpu.vector_load %arg13[%swap3A_318, %swap3A_319] {strides = array<i32>} : memref<16x128xf32, #tpu.memory_space<vmem>>, vector<16xf32>,
          tpu.vector_store %arg13[%swap3A_318, %swap3A_319], %gather3A_314 {strides = array<i32>} : memref<16x128xf32, #tpu.memory_space<vmem>>, vector<16xf32>,
          %scan3A_321 = arith.constant 0 : i32
          scf.yield %scan3A_321 : i32
        }
        %scan3A_144 = arith.constant 8 : i32
        %mul3A_145 = arith.constant 16 : i32
        %mul3A_146 = arith.muli %mul3A_145, %sub3A_125 : i32
        "tpu.region"() ({
          %run_scoped3A = tpu.sem_alloc : memref<!tpu.dma_semaphore, #tpu.memory_space<semaphore_mem>>
          %dma_start3A = tpu.memref_slice %arg8[%mul3A_146, %mul3A_2] : memref<416x4096xf32, #tpu.memory_space<hbm>> -> memref<16x128xf32, #tpu.memory_space<hbm>>
          %dma_start3A_147 = tpu.memref_slice %arg8[%mul3A_146, %mul3A_2] : memref<416x4096xf32, #tpu.memory_space<hbm>> -> memref<16x128xf32, #tpu.memory_space<hbm>>
          tpu.enqueue_dma source(%arg13 : memref<16x128xf32, #tpu.memory_space<vmem>>) target(%dma_start3A_147 : memref<16x128xf32, #tpu.memory_space<hbm>>) target_semaphore(%run_scoped3A : memref<!tpu.dma_semaphore, #tpu.memory_space<semaphore_mem>>)
          %dma_wait3A_148 = tpu.memref_slice %arg8[%mul3A_146, %mul3A_2] : memref<416x4096xf32, #tpu.memory_space<hbm>> -> memref<16x128xf32, #tpu.memory_space<hbm>>
          %dma_wait3A_149 = tpu.memref_slice %arg8[%mul3A_146, %mul3A_2] : memref<416x4096xf32, #tpu.memory_space<hbm>> -> memref<16x128xf32, #tpu.memory_space<hbm>>
          tpu.wait_dma2 semaphore(%run_scoped3A : memref<!tpu.dma_semaphore, #tpu.memory_space<semaphore_mem>>) src(%arg13 : memref<16x128xf32, #tpu.memory_space<vmem>>) dst(%dma_wait3A_149 : memref<16x128xf32, #tpu.memory_space<hbm>>)
          tpu.yield
        }) : () -> ()
      } else {
      }
      %add3A_92 = arith.constant 1 : i32
      %add3A_93 = arith.addi %mul3A_80, %add3A_92 : i32
      %mul3A_94 = arith.constant 16 : i32
      %mul3A_95 = arith.muli %mul3A_2, %mul3A_94 : i32
      "tpu.region"() ({
        %run_scoped3A = tpu.sem_alloc : memref<!tpu.dma_semaphore, #tpu.memory_space<semaphore_mem>>
        %dma_start3A = arith.constant 2048 : i32
        %dma_start3A_125 = tpu.memref_slice %arg10[%dma_start3A] : memref<4096xi32, #tpu.memory_space<vmem>> -> memref<2048xi32, #tpu.memory_space<vmem>>
        %dma_start3A_126 = tpu.memref_slice %arg2[%add3A_93, %mul3A_95] : memref<26x65536xi32, #tpu.memory_space<hbm>> -> memref<1x2048xi32, #tpu.memory_space<hbm>>
        %dma_start3A_127 = tpu.memref_squeeze %dma_start3A_126 : memref<1x2048xi32, #tpu.memory_space<hbm>> -> memref<2048xi32, #tpu.memory_space<hbm>>
        %dma_start3A_128 = arith.constant 2048 : i32
        %dma_start3A_129 = tpu.memref_slice %arg10[%dma_start3A_128] : memref<4096xi32, #tpu.memory_space<vmem>> -> memref<2048xi32, #tpu.memory_space<vmem>>
        %dma_start3A_130 = tpu.memref_slice %arg2[%add3A_93, %mul3A_95] : memref<26x65536xi32, #tpu.memory_space<hbm>> -> memref<1x2048xi32, #tpu.memory_space<hbm>>
        %dma_start3A_131 = tpu.memref_squeeze %dma_start3A_130 : memref<1x2048xi32, #tpu.memory_space<hbm>> -> memref<2048xi32, #tpu.memory_space<hbm>>
        tpu.enqueue_dma source(%dma_start3A_131 : memref<2048xi32, #tpu.memory_space<hbm>>) target(%dma_start3A_129 : memref<2048xi32, #tpu.memory_space<vmem>>) target_semaphore(%run_scoped3A : memref<!tpu.dma_semaphore, #tpu.memory_space<semaphore_mem>>)
        %dma_wait3A_132 = arith.constant 2048 : i32
        %dma_wait3A_133 = tpu.memref_slice %arg10[%dma_wait3A_132] : memref<4096xi32, #tpu.memory_space<vmem>> -> memref<2048xi32, #tpu.memory_space<vmem>>
        %dma_wait3A_134 = tpu.memref_slice %arg2[%add3A_93, %mul3A_95] : memref<26x65536xi32, #tpu.memory_space<hbm>> -> memref<1x2048xi32, #tpu.memory_space<hbm>>
        %dma_wait3A_135 = tpu.memref_squeeze %dma_wait3A_134 : memref<1x2048xi32, #tpu.memory_space<hbm>> -> memref<2048xi32, #tpu.memory_space<hbm>>
        %dma_wait3A_136 = arith.constant 2048 : i32
        %dma_wait3A_137 = tpu.memref_slice %arg10[%dma_wait3A_136] : memref<4096xi32, #tpu.memory_space<vmem>> -> memref<2048xi32, #tpu.memory_space<vmem>>
        %dma_wait3A_138 = tpu.memref_slice %arg2[%add3A_93, %mul3A_95] : memref<26x65536xi32, #tpu.memory_space<hbm>> -> memref<1x2048xi32, #tpu.memory_space<hbm>>
        %dma_wait3A_139 = tpu.memref_squeeze %dma_wait3A_138 : memref<1x2048xi32, #tpu.memory_space<hbm>> -> memref<2048xi32, #tpu.memory_space<hbm>>
        tpu.wait_dma2 semaphore(%run_scoped3A : memref<!tpu.dma_semaphore, #tpu.memory_space<semaphore_mem>>) src(%dma_wait3A_139 : memref<2048xi32, #tpu.memory_space<hbm>>) dst(%dma_wait3A_137 : memref<2048xi32, #tpu.memory_space<vmem>>)
        tpu.yield
      }) : () -> ()
      "tpu.region"() ({
        %run_scoped3A = tpu.sem_alloc : memref<!tpu.dma_semaphore, #tpu.memory_space<semaphore_mem>>
        %dma_start3A = arith.constant 128 : i32
        %dma_start3A_125 = tpu.memref_slice %arg11[%dma_start3A] : memref<256xi32, #tpu.memory_space<vmem>> -> memref<128xi32, #tpu.memory_space<vmem>>
        %dma_start3A_126 = tpu.memref_slice %arg3[%add3A_93, %mul3A_2] : memref<26x4096xi32, #tpu.memory_space<hbm>> -> memref<1x128xi32, #tpu.memory_space<hbm>>
        %dma_start3A_127 = tpu.memref_squeeze %dma_start3A_126 : memref<1x128xi32, #tpu.memory_space<hbm>> -> memref<128xi32, #tpu.memory_space<hbm>>
        %dma_start3A_128 = arith.constant 128 : i32
        %dma_start3A_129 = tpu.memref_slice %arg11[%dma_start3A_128] : memref<256xi32, #tpu.memory_space<vmem>> -> memref<128xi32, #tpu.memory_space<vmem>>
        %dma_start3A_130 = tpu.memref_slice %arg3[%add3A_93, %mul3A_2] : memref<26x4096xi32, #tpu.memory_space<hbm>> -> memref<1x128xi32, #tpu.memory_space<hbm>>
        %dma_start3A_131 = tpu.memref_squeeze %dma_start3A_130 : memref<1x128xi32, #tpu.memory_space<hbm>> -> memref<128xi32, #tpu.memory_space<hbm>>
        tpu.enqueue_dma source(%dma_start3A_131 : memref<128xi32, #tpu.memory_space<hbm>>) target(%dma_start3A_129 : memref<128xi32, #tpu.memory_space<vmem>>) target_semaphore(%run_scoped3A : memref<!tpu.dma_semaphore, #tpu.memory_space<semaphore_mem>>)
        %dma_wait3A_132 = arith.constant 128 : i32
        %dma_wait3A_133 = tpu.memref_slice %arg11[%dma_wait3A_132] : memref<256xi32, #tpu.memory_space<vmem>> -> memref<128xi32, #tpu.memory_space<vmem>>
        %dma_wait3A_134 = tpu.memref_slice %arg3[%add3A_93, %mul3A_2] : memref<26x4096xi32, #tpu.memory_space<hbm>> -> memref<1x128xi32, #tpu.memory_space<hbm>>
        %dma_wait3A_135 = tpu.memref_squeeze %dma_wait3A_134 : memref<1x128xi32, #tpu.memory_space<hbm>> -> memref<128xi32, #tpu.memory_space<hbm>>
        %dma_wait3A_136 = arith.constant 128 : i32
        %dma_wait3A_137 = tpu.memref_slice %arg11[%dma_wait3A_136] : memref<256xi32, #tpu.memory_space<vmem>> -> memref<128xi32, #tpu.memory_space<vmem>>
        %dma_wait3A_138 = tpu.memref_slice %arg3[%add3A_93, %mul3A_2] : memref<26x4096xi32, #tpu.memory_space<hbm>> -> memref<1x128xi32, #tpu.memory_space<hbm>>
        %dma_wait3A_139 = tpu.memref_squeeze %dma_wait3A_138 : memref<1x128xi32, #tpu.memory_space<hbm>> -> memref<128xi32, #tpu.memory_space<hbm>>
        tpu.wait_dma2 semaphore(%run_scoped3A : memref<!tpu.dma_semaphore, #tpu.memory_space<semaphore_mem>>) src(%dma_wait3A_139 : memref<128xi32, #tpu.memory_space<hbm>>) dst(%dma_wait3A_137 : memref<128xi32, #tpu.memory_space<vmem>>)
        tpu.yield
      }) : () -> ()
      %scan3A_96 = arith.constant 0 : i32
      %scan3A_97 = arith.constant 0 : i32
      %scan3A_98 = arith.constant 16 : i32
      %scan3A_99 = arith.addi %scan3A_97, %scan3A_98 : i32
      %scan3A_100 = arith.constant 1 : i32
      %scan3A_101 = scf.for %scan3A_125 = %scan3A_97 to %scan3A_99 step %scan3A_100 iter_args(%scan3A_126 = %scan3A_96) -> (i32)  : i32 {
        %mul3A_127 = arith.constant 128 : i32
        %mul3A_128 = arith.muli %scan3A_125, %mul3A_127 : i32
        %add3A_129 = arith.constant 2048 : i32
        %add3A_130 = arith.addi %add3A_129, %mul3A_128 : i32
        %mul3A_131 = arith.constant 128 : i32
        %mul3A_132 = arith.muli %scan3A_125, %mul3A_131 : i32
        %add3A_133 = arith.constant 2048 : i32
        %add3A_134 = arith.addi %add3A_133, %mul3A_132 : i32
        %dma_start3A = arith.constant 0 : i32
        %dma_start3A_135 = tpu.memref_slice %arg12[%add3A_134, %dma_start3A] : memref<4096x16xf32, #tpu.memory_space<vmem>> -> memref<128x16xf32, #tpu.memory_space<vmem>>
        %dma_start3A_136 = tpu.memref_slice %arg10[%add3A_130] : memref<4096xi32, #tpu.memory_space<vmem>> -> memref<128xi32, #tpu.memory_space<vmem>>
        %dma_start3A_137 = arith.constant 0 : i32
        %dma_start3A_138 = arith.constant 0 : i32
        %dma_start3A_139 = tpu.memref_slice %arg4[%dma_start3A_137, %dma_start3A_138] : memref<2600000x16xf32, #tpu.memory_space<hbm>> -> memref<2600000x16xf32, #tpu.memory_space<hbm>>
        tpu.enqueue_indirect_dma source(%dma_start3A_139 : memref<2600000x16xf32, #tpu.memory_space<hbm>>) target(%dma_start3A_135 : memref<128x16xf32, #tpu.memory_space<vmem>>) offsets(%dma_start3A_136 : memref<128xi32, #tpu.memory_space<vmem>>) semaphore(%arg19 : memref<!tpu.dma_semaphore, #tpu.memory_space<semaphore_mem>>)
        %scan3A_140 = arith.constant 0 : i32
        scf.yield %scan3A_140 : i32
      }
      %scan3A_102 = arith.constant 16 : i32
      %dma_wait3A_103 = arith.constant 0 : i32
      %dma_wait3A_104 = arith.constant 0 : i32
      %dma_wait3A_105 = tpu.memref_slice %arg12[%dma_wait3A_103, %dma_wait3A_104] : memref<4096x16xf32, #tpu.memory_space<vmem>> -> memref<2048x16xf32, #tpu.memory_space<vmem>>
      %dma_wait3A_106 = arith.constant 0 : i32
      %dma_wait3A_107 = arith.constant 0 : i32
      %dma_wait3A_108 = tpu.memref_slice %arg4[%dma_wait3A_106, %dma_wait3A_107] : memref<2600000x16xf32, #tpu.memory_space<hbm>> -> memref<2048x16xf32, #tpu.memory_space<hbm>>
      %dma_wait3A_109 = arith.constant 0 : i32
      %dma_wait3A_110 = arith.constant 0 : i32
      %dma_wait3A_111 = tpu.memref_slice %arg12[%dma_wait3A_109, %dma_wait3A_110] : memref<4096x16xf32, #tpu.memory_space<vmem>> -> memref<2048x16xf32, #tpu.memory_space<vmem>>
      %dma_wait3A_112 = arith.constant 0 : i32
      %dma_wait3A_113 = arith.constant 0 : i32
      %dma_wait3A_114 = tpu.memref_slice %arg4[%dma_wait3A_112, %dma_wait3A_113] : memref<2600000x16xf32, #tpu.memory_space<hbm>> -> memref<2048x16xf32, #tpu.memory_space<hbm>>
      tpu.wait_dma2 semaphore(%arg18 : memref<!tpu.dma_semaphore, #tpu.memory_space<semaphore_mem>>) src(%dma_wait3A_114 : memref<2048x16xf32, #tpu.memory_space<hbm>>) dst(%dma_wait3A_111 : memref<2048x16xf32, #tpu.memory_space<vmem>>)
      %scan3A_115 = arith.constant 0 : i32
      %scan3A_116 = arith.constant 0 : i32
      %scan3A_117 = arith.constant 8 : i32
      %scan3A_118 = arith.addi %scan3A_116, %scan3A_117 : i32
      %scan3A_119 = arith.constant 1 : i32
      %scan3A_120 = scf.for %scan3A_125 = %scan3A_116 to %scan3A_118 step %scan3A_119 iter_args(%scan3A_126 = %scan3A_115) -> (i32)  : i32 {
        %mul3A_127 = arith.constant 16 : i32
        %mul3A_128 = arith.muli %scan3A_125, %mul3A_127 : i32
        %add3A_129 = arith.constant 0 : i32
        %add3A_130 = arith.addi %add3A_129, %mul3A_128 : i32
        %get3A = arith.index_cast %add3A_130 : i32 to index
        %get3A_131 = tpu.vector_load %arg11[%get3A] {strides = array<i32>} : memref<256xi32, #tpu.memory_space<vmem>>, vector<16xi32>,
        %mul3A_132 = arith.constant 256 : i32
        %mul3A_133 = arith.muli %mul3A_132, %scan3A_125 : i32
        %add3A_134 = arith.constant 0 : i32
        %add3A_135 = arith.addi %add3A_134, %mul3A_133 : i32
        %mul3A_136 = arith.constant 16 : i32
        %mul3A_137 = vector.broadcast %mul3A_136 : i32 to vector<16xi32>
        %mul3A_138 = arith.muli %iota3A, %mul3A_137 : vector<16xi32>
        %add3A_139 = vector.broadcast %add3A_135 : i32 to vector<16xi32>
        %add3A_140 = arith.addi %add3A_139, %mul3A_138 : vector<16xi32>
        %add3A_141 = arith.constant 0 : i32
        %add3A_142 = vector.broadcast %add3A_141 : i32 to vector<16xi32>
        %add3A_143 = arith.addi %add3A_140, %add3A_142 : vector<16xi32>
        %gather3A = tpu.vector_load_idx %arg12[%add3A_143, %get3A_131] : memref<4096x16xf32, #tpu.memory_space<vmem>>[vector<16xi32>, vector<16xi32>], vector<16xf32>,
        %mul3A_144 = arith.constant 16 : i32
        %mul3A_145 = arith.muli %scan3A_125, %mul3A_144 : i32
        %swap3A = arith.constant 0 : i32
        %swap3A_146 = arith.index_cast %swap3A : i32 to index
        %swap3A_147 = arith.index_cast %mul3A_145 : i32 to index
        %swap3A_148 = tpu.vector_load %arg13[%swap3A_146, %swap3A_147] {strides = array<i32>} : memref<16x128xf32, #tpu.memory_space<vmem>>, vector<16xf32>,
        tpu.vector_store %arg13[%swap3A_146, %swap3A_147], %gather3A {strides = array<i32>} : memref<16x128xf32, #tpu.memory_space<vmem>>, vector<16xf32>,
        %add3A_149 = arith.constant 1 : i32
        %add3A_150 = vector.broadcast %add3A_149 : i32 to vector<16xi32>
        %add3A_151 = arith.addi %add3A_140, %add3A_150 : vector<16xi32>
        %gather3A_152 = tpu.vector_load_idx %arg12[%add3A_151, %get3A_131] : memref<4096x16xf32, #tpu.memory_space<vmem>>[vector<16xi32>, vector<16xi32>], vector<16xf32>,
        %mul3A_153 = arith.constant 16 : i32
        %mul3A_154 = arith.muli %scan3A_125, %mul3A_153 : i32
        %swap3A_155 = arith.constant 1 : i32
        %swap3A_156 = arith.index_cast %swap3A_155 : i32 to index
        %swap3A_157 = arith.index_cast %mul3A_154 : i32 to index
        %swap3A_158 = tpu.vector_load %arg13[%swap3A_156, %swap3A_157] {strides = array<i32>} : memref<16x128xf32, #tpu.memory_space<vmem>>, vector<16xf32>,
        tpu.vector_store %arg13[%swap3A_156, %swap3A_157], %gather3A_152 {strides = array<i32>} : memref<16x128xf32, #tpu.memory_space<vmem>>, vector<16xf32>,
        %add3A_159 = arith.constant 2 : i32
        %add3A_160 = vector.broadcast %add3A_159 : i32 to vector<16xi32>
        %add3A_161 = arith.addi %add3A_140, %add3A_160 : vector<16xi32>
        %gather3A_162 = tpu.vector_load_idx %arg12[%add3A_161, %get3A_131] : memref<4096x16xf32, #tpu.memory_space<vmem>>[vector<16xi32>, vector<16xi32>], vector<16xf32>,
        %mul3A_163 = arith.constant 16 : i32
        %mul3A_164 = arith.muli %scan3A_125, %mul3A_163 : i32
        %swap3A_165 = arith.constant 2 : i32
        %swap3A_166 = arith.index_cast %swap3A_165 : i32 to index
        %swap3A_167 = arith.index_cast %mul3A_164 : i32 to index
        %swap3A_168 = tpu.vector_load %arg13[%swap3A_166, %swap3A_167] {strides = array<i32>} : memref<16x128xf32, #tpu.memory_space<vmem>>, vector<16xf32>,
        tpu.vector_store %arg13[%swap3A_166, %swap3A_167], %gather3A_162 {strides = array<i32>} : memref<16x128xf32, #tpu.memory_space<vmem>>, vector<16xf32>,
        %add3A_169 = arith.constant 3 : i32
        %add3A_170 = vector.broadcast %add3A_169 : i32 to vector<16xi32>
        %add3A_171 = arith.addi %add3A_140, %add3A_170 : vector<16xi32>
        %gather3A_172 = tpu.vector_load_idx %arg12[%add3A_171, %get3A_131] : memref<4096x16xf32, #tpu.memory_space<vmem>>[vector<16xi32>, vector<16xi32>], vector<16xf32>,
        %mul3A_173 = arith.constant 16 : i32
        %mul3A_174 = arith.muli %scan3A_125, %mul3A_173 : i32
        %swap3A_175 = arith.constant 3 : i32
        %swap3A_176 = arith.index_cast %swap3A_175 : i32 to index
        %swap3A_177 = arith.index_cast %mul3A_174 : i32 to index
        %swap3A_178 = tpu.vector_load %arg13[%swap3A_176, %swap3A_177] {strides = array<i32>} : memref<16x128xf32, #tpu.memory_space<vmem>>, vector<16xf32>,
        tpu.vector_store %arg13[%swap3A_176, %swap3A_177], %gather3A_172 {strides = array<i32>} : memref<16x128xf32, #tpu.memory_space<vmem>>, vector<16xf32>,
        %add3A_179 = arith.constant 4 : i32
        %add3A_180 = vector.broadcast %add3A_179 : i32 to vector<16xi32>
        %add3A_181 = arith.addi %add3A_140, %add3A_180 : vector<16xi32>
        %gather3A_182 = tpu.vector_load_idx %arg12[%add3A_181, %get3A_131] : memref<4096x16xf32, #tpu.memory_space<vmem>>[vector<16xi32>, vector<16xi32>], vector<16xf32>,
        %mul3A_183 = arith.constant 16 : i32
        %mul3A_184 = arith.muli %scan3A_125, %mul3A_183 : i32
        %swap3A_185 = arith.constant 4 : i32
        %swap3A_186 = arith.index_cast %swap3A_185 : i32 to index
        %swap3A_187 = arith.index_cast %mul3A_184 : i32 to index
        %swap3A_188 = tpu.vector_load %arg13[%swap3A_186, %swap3A_187] {strides = array<i32>} : memref<16x128xf32, #tpu.memory_space<vmem>>, vector<16xf32>,
        tpu.vector_store %arg13[%swap3A_186, %swap3A_187], %gather3A_182 {strides = array<i32>} : memref<16x128xf32, #tpu.memory_space<vmem>>, vector<16xf32>,
        %add3A_189 = arith.constant 5 : i32
        %add3A_190 = vector.broadcast %add3A_189 : i32 to vector<16xi32>
        %add3A_191 = arith.addi %add3A_140, %add3A_190 : vector<16xi32>
        %gather3A_192 = tpu.vector_load_idx %arg12[%add3A_191, %get3A_131] : memref<4096x16xf32, #tpu.memory_space<vmem>>[vector<16xi32>, vector<16xi32>], vector<16xf32>,
        %mul3A_193 = arith.constant 16 : i32
        %mul3A_194 = arith.muli %scan3A_125, %mul3A_193 : i32
        %swap3A_195 = arith.constant 5 : i32
        %swap3A_196 = arith.index_cast %swap3A_195 : i32 to index
        %swap3A_197 = arith.index_cast %mul3A_194 : i32 to index
        %swap3A_198 = tpu.vector_load %arg13[%swap3A_196, %swap3A_197] {strides = array<i32>} : memref<16x128xf32, #tpu.memory_space<vmem>>, vector<16xf32>,
        tpu.vector_store %arg13[%swap3A_196, %swap3A_197], %gather3A_192 {strides = array<i32>} : memref<16x128xf32, #tpu.memory_space<vmem>>, vector<16xf32>,
        %add3A_199 = arith.constant 6 : i32
        %add3A_200 = vector.broadcast %add3A_199 : i32 to vector<16xi32>
        %add3A_201 = arith.addi %add3A_140, %add3A_200 : vector<16xi32>
        %gather3A_202 = tpu.vector_load_idx %arg12[%add3A_201, %get3A_131] : memref<4096x16xf32, #tpu.memory_space<vmem>>[vector<16xi32>, vector<16xi32>], vector<16xf32>,
        %mul3A_203 = arith.constant 16 : i32
        %mul3A_204 = arith.muli %scan3A_125, %mul3A_203 : i32
        %swap3A_205 = arith.constant 6 : i32
        %swap3A_206 = arith.index_cast %swap3A_205 : i32 to index
        %swap3A_207 = arith.index_cast %mul3A_204 : i32 to index
        %swap3A_208 = tpu.vector_load %arg13[%swap3A_206, %swap3A_207] {strides = array<i32>} : memref<16x128xf32, #tpu.memory_space<vmem>>, vector<16xf32>,
        tpu.vector_store %arg13[%swap3A_206, %swap3A_207], %gather3A_202 {strides = array<i32>} : memref<16x128xf32, #tpu.memory_space<vmem>>, vector<16xf32>,
        %add3A_209 = arith.constant 7 : i32
        %add3A_210 = vector.broadcast %add3A_209 : i32 to vector<16xi32>
        %add3A_211 = arith.addi %add3A_140, %add3A_210 : vector<16xi32>
        %gather3A_212 = tpu.vector_load_idx %arg12[%add3A_211, %get3A_131] : memref<4096x16xf32, #tpu.memory_space<vmem>>[vector<16xi32>, vector<16xi32>], vector<16xf32>,
        %mul3A_213 = arith.constant 16 : i32
        %mul3A_214 = arith.muli %scan3A_125, %mul3A_213 : i32
        %swap3A_215 = arith.constant 7 : i32
        %swap3A_216 = arith.index_cast %swap3A_215 : i32 to index
        %swap3A_217 = arith.index_cast %mul3A_214 : i32 to index
        %swap3A_218 = tpu.vector_load %arg13[%swap3A_216, %swap3A_217] {strides = array<i32>} : memref<16x128xf32, #tpu.memory_space<vmem>>, vector<16xf32>,
        tpu.vector_store %arg13[%swap3A_216, %swap3A_217], %gather3A_212 {strides = array<i32>} : memref<16x128xf32, #tpu.memory_space<vmem>>, vector<16xf32>,
        %add3A_219 = arith.constant 8 : i32
        %add3A_220 = vector.broadcast %add3A_219 : i32 to vector<16xi32>
        %add3A_221 = arith.addi %add3A_140, %add3A_220 : vector<16xi32>
        %gather3A_222 = tpu.vector_load_idx %arg12[%add3A_221, %get3A_131] : memref<4096x16xf32, #tpu.memory_space<vmem>>[vector<16xi32>, vector<16xi32>], vector<16xf32>,
        %mul3A_223 = arith.constant 16 : i32
        %mul3A_224 = arith.muli %scan3A_125, %mul3A_223 : i32
        %swap3A_225 = arith.constant 8 : i32
        %swap3A_226 = arith.index_cast %swap3A_225 : i32 to index
        %swap3A_227 = arith.index_cast %mul3A_224 : i32 to index
        %swap3A_228 = tpu.vector_load %arg13[%swap3A_226, %swap3A_227] {strides = array<i32>} : memref<16x128xf32, #tpu.memory_space<vmem>>, vector<16xf32>,
        tpu.vector_store %arg13[%swap3A_226, %swap3A_227], %gather3A_222 {strides = array<i32>} : memref<16x128xf32, #tpu.memory_space<vmem>>, vector<16xf32>,
        %add3A_229 = arith.constant 9 : i32
        %add3A_230 = vector.broadcast %add3A_229 : i32 to vector<16xi32>
        %add3A_231 = arith.addi %add3A_140, %add3A_230 : vector<16xi32>
        %gather3A_232 = tpu.vector_load_idx %arg12[%add3A_231, %get3A_131] : memref<4096x16xf32, #tpu.memory_space<vmem>>[vector<16xi32>, vector<16xi32>], vector<16xf32>,
        %mul3A_233 = arith.constant 16 : i32
        %mul3A_234 = arith.muli %scan3A_125, %mul3A_233 : i32
        %swap3A_235 = arith.constant 9 : i32
        %swap3A_236 = arith.index_cast %swap3A_235 : i32 to index
        %swap3A_237 = arith.index_cast %mul3A_234 : i32 to index
        %swap3A_238 = tpu.vector_load %arg13[%swap3A_236, %swap3A_237] {strides = array<i32>} : memref<16x128xf32, #tpu.memory_space<vmem>>, vector<16xf32>,
        tpu.vector_store %arg13[%swap3A_236, %swap3A_237], %gather3A_232 {strides = array<i32>} : memref<16x128xf32, #tpu.memory_space<vmem>>, vector<16xf32>,
        %add3A_239 = arith.constant 10 : i32
        %add3A_240 = vector.broadcast %add3A_239 : i32 to vector<16xi32>
        %add3A_241 = arith.addi %add3A_140, %add3A_240 : vector<16xi32>
        %gather3A_242 = tpu.vector_load_idx %arg12[%add3A_241, %get3A_131] : memref<4096x16xf32, #tpu.memory_space<vmem>>[vector<16xi32>, vector<16xi32>], vector<16xf32>,
        %mul3A_243 = arith.constant 16 : i32
        %mul3A_244 = arith.muli %scan3A_125, %mul3A_243 : i32
        %swap3A_245 = arith.constant 10 : i32
        %swap3A_246 = arith.index_cast %swap3A_245 : i32 to index
        %swap3A_247 = arith.index_cast %mul3A_244 : i32 to index
        %swap3A_248 = tpu.vector_load %arg13[%swap3A_246, %swap3A_247] {strides = array<i32>} : memref<16x128xf32, #tpu.memory_space<vmem>>, vector<16xf32>,
        tpu.vector_store %arg13[%swap3A_246, %swap3A_247], %gather3A_242 {strides = array<i32>} : memref<16x128xf32, #tpu.memory_space<vmem>>, vector<16xf32>,
        %add3A_249 = arith.constant 11 : i32
        %add3A_250 = vector.broadcast %add3A_249 : i32 to vector<16xi32>
        %add3A_251 = arith.addi %add3A_140, %add3A_250 : vector<16xi32>
        %gather3A_252 = tpu.vector_load_idx %arg12[%add3A_251, %get3A_131] : memref<4096x16xf32, #tpu.memory_space<vmem>>[vector<16xi32>, vector<16xi32>], vector<16xf32>,
        %mul3A_253 = arith.constant 16 : i32
        %mul3A_254 = arith.muli %scan3A_125, %mul3A_253 : i32
        %swap3A_255 = arith.constant 11 : i32
        %swap3A_256 = arith.index_cast %swap3A_255 : i32 to index
        %swap3A_257 = arith.index_cast %mul3A_254 : i32 to index
        %swap3A_258 = tpu.vector_load %arg13[%swap3A_256, %swap3A_257] {strides = array<i32>} : memref<16x128xf32, #tpu.memory_space<vmem>>, vector<16xf32>,
        tpu.vector_store %arg13[%swap3A_256, %swap3A_257], %gather3A_252 {strides = array<i32>} : memref<16x128xf32, #tpu.memory_space<vmem>>, vector<16xf32>,
        %add3A_259 = arith.constant 12 : i32
        %add3A_260 = vector.broadcast %add3A_259 : i32 to vector<16xi32>
        %add3A_261 = arith.addi %add3A_140, %add3A_260 : vector<16xi32>
        %gather3A_262 = tpu.vector_load_idx %arg12[%add3A_261, %get3A_131] : memref<4096x16xf32, #tpu.memory_space<vmem>>[vector<16xi32>, vector<16xi32>], vector<16xf32>,
        %mul3A_263 = arith.constant 16 : i32
        %mul3A_264 = arith.muli %scan3A_125, %mul3A_263 : i32
        %swap3A_265 = arith.constant 12 : i32
        %swap3A_266 = arith.index_cast %swap3A_265 : i32 to index
        %swap3A_267 = arith.index_cast %mul3A_264 : i32 to index
        %swap3A_268 = tpu.vector_load %arg13[%swap3A_266, %swap3A_267] {strides = array<i32>} : memref<16x128xf32, #tpu.memory_space<vmem>>, vector<16xf32>,
        tpu.vector_store %arg13[%swap3A_266, %swap3A_267], %gather3A_262 {strides = array<i32>} : memref<16x128xf32, #tpu.memory_space<vmem>>, vector<16xf32>,
        %add3A_269 = arith.constant 13 : i32
        %add3A_270 = vector.broadcast %add3A_269 : i32 to vector<16xi32>
        %add3A_271 = arith.addi %add3A_140, %add3A_270 : vector<16xi32>
        %gather3A_272 = tpu.vector_load_idx %arg12[%add3A_271, %get3A_131] : memref<4096x16xf32, #tpu.memory_space<vmem>>[vector<16xi32>, vector<16xi32>], vector<16xf32>,
        %mul3A_273 = arith.constant 16 : i32
        %mul3A_274 = arith.muli %scan3A_125, %mul3A_273 : i32
        %swap3A_275 = arith.constant 13 : i32
        %swap3A_276 = arith.index_cast %swap3A_275 : i32 to index
        %swap3A_277 = arith.index_cast %mul3A_274 : i32 to index
        %swap3A_278 = tpu.vector_load %arg13[%swap3A_276, %swap3A_277] {strides = array<i32>} : memref<16x128xf32, #tpu.memory_space<vmem>>, vector<16xf32>,
        tpu.vector_store %arg13[%swap3A_276, %swap3A_277], %gather3A_272 {strides = array<i32>} : memref<16x128xf32, #tpu.memory_space<vmem>>, vector<16xf32>,
        %add3A_279 = arith.constant 14 : i32
        %add3A_280 = vector.broadcast %add3A_279 : i32 to vector<16xi32>
        %add3A_281 = arith.addi %add3A_140, %add3A_280 : vector<16xi32>
        %gather3A_282 = tpu.vector_load_idx %arg12[%add3A_281, %get3A_131] : memref<4096x16xf32, #tpu.memory_space<vmem>>[vector<16xi32>, vector<16xi32>], vector<16xf32>,
        %mul3A_283 = arith.constant 16 : i32
        %mul3A_284 = arith.muli %scan3A_125, %mul3A_283 : i32
        %swap3A_285 = arith.constant 14 : i32
        %swap3A_286 = arith.index_cast %swap3A_285 : i32 to index
        %swap3A_287 = arith.index_cast %mul3A_284 : i32 to index
        %swap3A_288 = tpu.vector_load %arg13[%swap3A_286, %swap3A_287] {strides = array<i32>} : memref<16x128xf32, #tpu.memory_space<vmem>>, vector<16xf32>,
        tpu.vector_store %arg13[%swap3A_286, %swap3A_287], %gather3A_282 {strides = array<i32>} : memref<16x128xf32, #tpu.memory_space<vmem>>, vector<16xf32>,
        %add3A_289 = arith.constant 15 : i32
        %add3A_290 = vector.broadcast %add3A_289 : i32 to vector<16xi32>
        %add3A_291 = arith.addi %add3A_140, %add3A_290 : vector<16xi32>
        %gather3A_292 = tpu.vector_load_idx %arg12[%add3A_291, %get3A_131] : memref<4096x16xf32, #tpu.memory_space<vmem>>[vector<16xi32>, vector<16xi32>], vector<16xf32>,
        %mul3A_293 = arith.constant 16 : i32
        %mul3A_294 = arith.muli %scan3A_125, %mul3A_293 : i32
        %swap3A_295 = arith.constant 15 : i32
        %swap3A_296 = arith.index_cast %swap3A_295 : i32 to index
        %swap3A_297 = arith.index_cast %mul3A_294 : i32 to index
        %swap3A_298 = tpu.vector_load %arg13[%swap3A_296, %swap3A_297] {strides = array<i32>} : memref<16x128xf32, #tpu.memory_space<vmem>>, vector<16xf32>,
        tpu.vector_store %arg13[%swap3A_296, %swap3A_297], %gather3A_292 {strides = array<i32>} : memref<16x128xf32, #tpu.memory_space<vmem>>, vector<16xf32>,
        %scan3A_299 = arith.constant 0 : i32
        scf.yield %scan3A_299 : i32
      }
      %scan3A_121 = arith.constant 8 : i32
      %mul3A_122 = arith.constant 16 : i32
      %mul3A_123 = arith.muli %mul3A_122, %mul3A_80 : i32
      "tpu.region"() ({
        %run_scoped3A = tpu.sem_alloc : memref<!tpu.dma_semaphore, #tpu.memory_space<semaphore_mem>>
        %dma_start3A = tpu.memref_slice %arg8[%mul3A_123, %mul3A_2] : memref<416x4096xf32, #tpu.memory_space<hbm>> -> memref<16x128xf32, #tpu.memory_space<hbm>>
        %dma_start3A_125 = tpu.memref_slice %arg8[%mul3A_123, %mul3A_2] : memref<416x4096xf32, #tpu.memory_space<hbm>> -> memref<16x128xf32, #tpu.memory_space<hbm>>
        tpu.enqueue_dma source(%arg13 : memref<16x128xf32, #tpu.memory_space<vmem>>) target(%dma_start3A_125 : memref<16x128xf32, #tpu.memory_space<hbm>>) target_semaphore(%run_scoped3A : memref<!tpu.dma_semaphore, #tpu.memory_space<semaphore_mem>>)
        %dma_wait3A_126 = tpu.memref_slice %arg8[%mul3A_123, %mul3A_2] : memref<416x4096xf32, #tpu.memory_space<hbm>> -> memref<16x128xf32, #tpu.memory_space<hbm>>
        %dma_wait3A_127 = tpu.memref_slice %arg8[%mul3A_123, %mul3A_2] : memref<416x4096xf32, #tpu.memory_space<hbm>> -> memref<16x128xf32, #tpu.memory_space<hbm>>
        tpu.wait_dma2 semaphore(%run_scoped3A : memref<!tpu.dma_semaphore, #tpu.memory_space<semaphore_mem>>) src(%arg13 : memref<16x128xf32, #tpu.memory_space<vmem>>) dst(%dma_wait3A_127 : memref<16x128xf32, #tpu.memory_space<hbm>>)
        tpu.yield
      }) : () -> ()
      %scan3A_124 = arith.constant 0 : i32
      scf.yield %scan3A_124 : i32
    }
    %scan3A_21 = arith.constant 13 : i32
    %dma_wait3A = arith.constant 2048 : i32
    %dma_wait3A_22 = arith.constant 0 : i32
    %dma_wait3A_23 = tpu.memref_slice %arg12[%dma_wait3A, %dma_wait3A_22] : memref<4096x16xf32, #tpu.memory_space<vmem>> -> memref<2048x16xf32, #tpu.memory_space<vmem>>
    %dma_wait3A_24 = arith.constant 0 : i32
    %dma_wait3A_25 = arith.constant 0 : i32
    %dma_wait3A_26 = tpu.memref_slice %arg4[%dma_wait3A_24, %dma_wait3A_25] : memref<2600000x16xf32, #tpu.memory_space<hbm>> -> memref<2048x16xf32, #tpu.memory_space<hbm>>
    %dma_wait3A_27 = arith.constant 2048 : i32
    %dma_wait3A_28 = arith.constant 0 : i32
    %dma_wait3A_29 = tpu.memref_slice %arg12[%dma_wait3A_27, %dma_wait3A_28] : memref<4096x16xf32, #tpu.memory_space<vmem>> -> memref<2048x16xf32, #tpu.memory_space<vmem>>
    %dma_wait3A_30 = arith.constant 0 : i32
    %dma_wait3A_31 = arith.constant 0 : i32
    %dma_wait3A_32 = tpu.memref_slice %arg4[%dma_wait3A_30, %dma_wait3A_31] : memref<2600000x16xf32, #tpu.memory_space<hbm>> -> memref<2048x16xf32, #tpu.memory_space<hbm>>
    tpu.wait_dma2 semaphore(%arg19 : memref<!tpu.dma_semaphore, #tpu.memory_space<semaphore_mem>>) src(%dma_wait3A_32 : memref<2048x16xf32, #tpu.memory_space<hbm>>) dst(%dma_wait3A_29 : memref<2048x16xf32, #tpu.memory_space<vmem>>)
    %scan3A_33 = arith.constant 0 : i32
    %scan3A_34 = arith.constant 0 : i32
    %scan3A_35 = arith.constant 8 : i32
    %scan3A_36 = arith.addi %scan3A_34, %scan3A_35 : i32
    %scan3A_37 = arith.constant 1 : i32
    %scan3A_38 = scf.for %scan3A_77 = %scan3A_34 to %scan3A_36 step %scan3A_37 iter_args(%scan3A_78 = %scan3A_33) -> (i32)  : i32 {
      %mul3A_79 = arith.constant 16 : i32
      %mul3A_80 = arith.muli %scan3A_77, %mul3A_79 : i32
      %add3A_81 = arith.constant 128 : i32
      %add3A_82 = arith.addi %add3A_81, %mul3A_80 : i32
      %get3A = arith.index_cast %add3A_82 : i32 to index
      %get3A_83 = tpu.vector_load %arg11[%get3A] {strides = array<i32>} : memref<256xi32, #tpu.memory_space<vmem>>, vector<16xi32>,
      %mul3A_84 = arith.constant 256 : i32
      %mul3A_85 = arith.muli %mul3A_84, %scan3A_77 : i32
      %add3A_86 = arith.constant 2048 : i32
      %add3A_87 = arith.addi %add3A_86, %mul3A_85 : i32
      %mul3A_88 = arith.constant 16 : i32
      %mul3A_89 = vector.broadcast %mul3A_88 : i32 to vector<16xi32>
      %mul3A_90 = arith.muli %iota3A, %mul3A_89 : vector<16xi32>
      %add3A_91 = vector.broadcast %add3A_87 : i32 to vector<16xi32>
      %add3A_92 = arith.addi %add3A_91, %mul3A_90 : vector<16xi32>
      %add3A_93 = arith.constant 0 : i32
      %add3A_94 = vector.broadcast %add3A_93 : i32 to vector<16xi32>
      %add3A_95 = arith.addi %add3A_92, %add3A_94 : vector<16xi32>
      %gather3A = tpu.vector_load_idx %arg12[%add3A_95, %get3A_83] : memref<4096x16xf32, #tpu.memory_space<vmem>>[vector<16xi32>, vector<16xi32>], vector<16xf32>,
      %mul3A_96 = arith.constant 16 : i32
      %mul3A_97 = arith.muli %scan3A_77, %mul3A_96 : i32
      %swap3A = arith.constant 0 : i32
      %swap3A_98 = arith.index_cast %swap3A : i32 to index
      %swap3A_99 = arith.index_cast %mul3A_97 : i32 to index
      %swap3A_100 = tpu.vector_load %arg13[%swap3A_98, %swap3A_99] {strides = array<i32>} : memref<16x128xf32, #tpu.memory_space<vmem>>, vector<16xf32>,
      tpu.vector_store %arg13[%swap3A_98, %swap3A_99], %gather3A {strides = array<i32>} : memref<16x128xf32, #tpu.memory_space<vmem>>, vector<16xf32>,
      %add3A_101 = arith.constant 1 : i32
      %add3A_102 = vector.broadcast %add3A_101 : i32 to vector<16xi32>
      %add3A_103 = arith.addi %add3A_92, %add3A_102 : vector<16xi32>
      %gather3A_104 = tpu.vector_load_idx %arg12[%add3A_103, %get3A_83] : memref<4096x16xf32, #tpu.memory_space<vmem>>[vector<16xi32>, vector<16xi32>], vector<16xf32>,
      %mul3A_105 = arith.constant 16 : i32
      %mul3A_106 = arith.muli %scan3A_77, %mul3A_105 : i32
      %swap3A_107 = arith.constant 1 : i32
      %swap3A_108 = arith.index_cast %swap3A_107 : i32 to index
      %swap3A_109 = arith.index_cast %mul3A_106 : i32 to index
      %swap3A_110 = tpu.vector_load %arg13[%swap3A_108, %swap3A_109] {strides = array<i32>} : memref<16x128xf32, #tpu.memory_space<vmem>>, vector<16xf32>,
      tpu.vector_store %arg13[%swap3A_108, %swap3A_109], %gather3A_104 {strides = array<i32>} : memref<16x128xf32, #tpu.memory_space<vmem>>, vector<16xf32>,
      %add3A_111 = arith.constant 2 : i32
      %add3A_112 = vector.broadcast %add3A_111 : i32 to vector<16xi32>
      %add3A_113 = arith.addi %add3A_92, %add3A_112 : vector<16xi32>
      %gather3A_114 = tpu.vector_load_idx %arg12[%add3A_113, %get3A_83] : memref<4096x16xf32, #tpu.memory_space<vmem>>[vector<16xi32>, vector<16xi32>], vector<16xf32>,
      %mul3A_115 = arith.constant 16 : i32
      %mul3A_116 = arith.muli %scan3A_77, %mul3A_115 : i32
      %swap3A_117 = arith.constant 2 : i32
      %swap3A_118 = arith.index_cast %swap3A_117 : i32 to index
      %swap3A_119 = arith.index_cast %mul3A_116 : i32 to index
      %swap3A_120 = tpu.vector_load %arg13[%swap3A_118, %swap3A_119] {strides = array<i32>} : memref<16x128xf32, #tpu.memory_space<vmem>>, vector<16xf32>,
      tpu.vector_store %arg13[%swap3A_118, %swap3A_119], %gather3A_114 {strides = array<i32>} : memref<16x128xf32, #tpu.memory_space<vmem>>, vector<16xf32>,
      %add3A_121 = arith.constant 3 : i32
      %add3A_122 = vector.broadcast %add3A_121 : i32 to vector<16xi32>
      %add3A_123 = arith.addi %add3A_92, %add3A_122 : vector<16xi32>
      %gather3A_124 = tpu.vector_load_idx %arg12[%add3A_123, %get3A_83] : memref<4096x16xf32, #tpu.memory_space<vmem>>[vector<16xi32>, vector<16xi32>], vector<16xf32>,
      %mul3A_125 = arith.constant 16 : i32
      %mul3A_126 = arith.muli %scan3A_77, %mul3A_125 : i32
      %swap3A_127 = arith.constant 3 : i32
      %swap3A_128 = arith.index_cast %swap3A_127 : i32 to index
      %swap3A_129 = arith.index_cast %mul3A_126 : i32 to index
      %swap3A_130 = tpu.vector_load %arg13[%swap3A_128, %swap3A_129] {strides = array<i32>} : memref<16x128xf32, #tpu.memory_space<vmem>>, vector<16xf32>,
      tpu.vector_store %arg13[%swap3A_128, %swap3A_129], %gather3A_124 {strides = array<i32>} : memref<16x128xf32, #tpu.memory_space<vmem>>, vector<16xf32>,
      %add3A_131 = arith.constant 4 : i32
      %add3A_132 = vector.broadcast %add3A_131 : i32 to vector<16xi32>
      %add3A_133 = arith.addi %add3A_92, %add3A_132 : vector<16xi32>
      %gather3A_134 = tpu.vector_load_idx %arg12[%add3A_133, %get3A_83] : memref<4096x16xf32, #tpu.memory_space<vmem>>[vector<16xi32>, vector<16xi32>], vector<16xf32>,
      %mul3A_135 = arith.constant 16 : i32
      %mul3A_136 = arith.muli %scan3A_77, %mul3A_135 : i32
      %swap3A_137 = arith.constant 4 : i32
      %swap3A_138 = arith.index_cast %swap3A_137 : i32 to index
      %swap3A_139 = arith.index_cast %mul3A_136 : i32 to index
      %swap3A_140 = tpu.vector_load %arg13[%swap3A_138, %swap3A_139] {strides = array<i32>} : memref<16x128xf32, #tpu.memory_space<vmem>>, vector<16xf32>,
      tpu.vector_store %arg13[%swap3A_138, %swap3A_139], %gather3A_134 {strides = array<i32>} : memref<16x128xf32, #tpu.memory_space<vmem>>, vector<16xf32>,
      %add3A_141 = arith.constant 5 : i32
      %add3A_142 = vector.broadcast %add3A_141 : i32 to vector<16xi32>
      %add3A_143 = arith.addi %add3A_92, %add3A_142 : vector<16xi32>
      %gather3A_144 = tpu.vector_load_idx %arg12[%add3A_143, %get3A_83] : memref<4096x16xf32, #tpu.memory_space<vmem>>[vector<16xi32>, vector<16xi32>], vector<16xf32>,
      %mul3A_145 = arith.constant 16 : i32
      %mul3A_146 = arith.muli %scan3A_77, %mul3A_145 : i32
      %swap3A_147 = arith.constant 5 : i32
      %swap3A_148 = arith.index_cast %swap3A_147 : i32 to index
      %swap3A_149 = arith.index_cast %mul3A_146 : i32 to index
      %swap3A_150 = tpu.vector_load %arg13[%swap3A_148, %swap3A_149] {strides = array<i32>} : memref<16x128xf32, #tpu.memory_space<vmem>>, vector<16xf32>,
      tpu.vector_store %arg13[%swap3A_148, %swap3A_149], %gather3A_144 {strides = array<i32>} : memref<16x128xf32, #tpu.memory_space<vmem>>, vector<16xf32>,
      %add3A_151 = arith.constant 6 : i32
      %add3A_152 = vector.broadcast %add3A_151 : i32 to vector<16xi32>
      %add3A_153 = arith.addi %add3A_92, %add3A_152 : vector<16xi32>
      %gather3A_154 = tpu.vector_load_idx %arg12[%add3A_153, %get3A_83] : memref<4096x16xf32, #tpu.memory_space<vmem>>[vector<16xi32>, vector<16xi32>], vector<16xf32>,
      %mul3A_155 = arith.constant 16 : i32
      %mul3A_156 = arith.muli %scan3A_77, %mul3A_155 : i32
      %swap3A_157 = arith.constant 6 : i32
      %swap3A_158 = arith.index_cast %swap3A_157 : i32 to index
      %swap3A_159 = arith.index_cast %mul3A_156 : i32 to index
      %swap3A_160 = tpu.vector_load %arg13[%swap3A_158, %swap3A_159] {strides = array<i32>} : memref<16x128xf32, #tpu.memory_space<vmem>>, vector<16xf32>,
      tpu.vector_store %arg13[%swap3A_158, %swap3A_159], %gather3A_154 {strides = array<i32>} : memref<16x128xf32, #tpu.memory_space<vmem>>, vector<16xf32>,
      %add3A_161 = arith.constant 7 : i32
      %add3A_162 = vector.broadcast %add3A_161 : i32 to vector<16xi32>
      %add3A_163 = arith.addi %add3A_92, %add3A_162 : vector<16xi32>
      %gather3A_164 = tpu.vector_load_idx %arg12[%add3A_163, %get3A_83] : memref<4096x16xf32, #tpu.memory_space<vmem>>[vector<16xi32>, vector<16xi32>], vector<16xf32>,
      %mul3A_165 = arith.constant 16 : i32
      %mul3A_166 = arith.muli %scan3A_77, %mul3A_165 : i32
      %swap3A_167 = arith.constant 7 : i32
      %swap3A_168 = arith.index_cast %swap3A_167 : i32 to index
      %swap3A_169 = arith.index_cast %mul3A_166 : i32 to index
      %swap3A_170 = tpu.vector_load %arg13[%swap3A_168, %swap3A_169] {strides = array<i32>} : memref<16x128xf32, #tpu.memory_space<vmem>>, vector<16xf32>,
      tpu.vector_store %arg13[%swap3A_168, %swap3A_169], %gather3A_164 {strides = array<i32>} : memref<16x128xf32, #tpu.memory_space<vmem>>, vector<16xf32>,
      %add3A_171 = arith.constant 8 : i32
      %add3A_172 = vector.broadcast %add3A_171 : i32 to vector<16xi32>
      %add3A_173 = arith.addi %add3A_92, %add3A_172 : vector<16xi32>
      %gather3A_174 = tpu.vector_load_idx %arg12[%add3A_173, %get3A_83] : memref<4096x16xf32, #tpu.memory_space<vmem>>[vector<16xi32>, vector<16xi32>], vector<16xf32>,
      %mul3A_175 = arith.constant 16 : i32
      %mul3A_176 = arith.muli %scan3A_77, %mul3A_175 : i32
      %swap3A_177 = arith.constant 8 : i32
      %swap3A_178 = arith.index_cast %swap3A_177 : i32 to index
      %swap3A_179 = arith.index_cast %mul3A_176 : i32 to index
      %swap3A_180 = tpu.vector_load %arg13[%swap3A_178, %swap3A_179] {strides = array<i32>} : memref<16x128xf32, #tpu.memory_space<vmem>>, vector<16xf32>,
      tpu.vector_store %arg13[%swap3A_178, %swap3A_179], %gather3A_174 {strides = array<i32>} : memref<16x128xf32, #tpu.memory_space<vmem>>, vector<16xf32>,
      %add3A_181 = arith.constant 9 : i32
      %add3A_182 = vector.broadcast %add3A_181 : i32 to vector<16xi32>
      %add3A_183 = arith.addi %add3A_92, %add3A_182 : vector<16xi32>
      %gather3A_184 = tpu.vector_load_idx %arg12[%add3A_183, %get3A_83] : memref<4096x16xf32, #tpu.memory_space<vmem>>[vector<16xi32>, vector<16xi32>], vector<16xf32>,
      %mul3A_185 = arith.constant 16 : i32
      %mul3A_186 = arith.muli %scan3A_77, %mul3A_185 : i32
      %swap3A_187 = arith.constant 9 : i32
      %swap3A_188 = arith.index_cast %swap3A_187 : i32 to index
      %swap3A_189 = arith.index_cast %mul3A_186 : i32 to index
      %swap3A_190 = tpu.vector_load %arg13[%swap3A_188, %swap3A_189] {strides = array<i32>} : memref<16x128xf32, #tpu.memory_space<vmem>>, vector<16xf32>,
      tpu.vector_store %arg13[%swap3A_188, %swap3A_189], %gather3A_184 {strides = array<i32>} : memref<16x128xf32, #tpu.memory_space<vmem>>, vector<16xf32>,
      %add3A_191 = arith.constant 10 : i32
      %add3A_192 = vector.broadcast %add3A_191 : i32 to vector<16xi32>
      %add3A_193 = arith.addi %add3A_92, %add3A_192 : vector<16xi32>
      %gather3A_194 = tpu.vector_load_idx %arg12[%add3A_193, %get3A_83] : memref<4096x16xf32, #tpu.memory_space<vmem>>[vector<16xi32>, vector<16xi32>], vector<16xf32>,
      %mul3A_195 = arith.constant 16 : i32
      %mul3A_196 = arith.muli %scan3A_77, %mul3A_195 : i32
      %swap3A_197 = arith.constant 10 : i32
      %swap3A_198 = arith.index_cast %swap3A_197 : i32 to index
      %swap3A_199 = arith.index_cast %mul3A_196 : i32 to index
      %swap3A_200 = tpu.vector_load %arg13[%swap3A_198, %swap3A_199] {strides = array<i32>} : memref<16x128xf32, #tpu.memory_space<vmem>>, vector<16xf32>,
      tpu.vector_store %arg13[%swap3A_198, %swap3A_199], %gather3A_194 {strides = array<i32>} : memref<16x128xf32, #tpu.memory_space<vmem>>, vector<16xf32>,
      %add3A_201 = arith.constant 11 : i32
      %add3A_202 = vector.broadcast %add3A_201 : i32 to vector<16xi32>
      %add3A_203 = arith.addi %add3A_92, %add3A_202 : vector<16xi32>
      %gather3A_204 = tpu.vector_load_idx %arg12[%add3A_203, %get3A_83] : memref<4096x16xf32, #tpu.memory_space<vmem>>[vector<16xi32>, vector<16xi32>], vector<16xf32>,
      %mul3A_205 = arith.constant 16 : i32
      %mul3A_206 = arith.muli %scan3A_77, %mul3A_205 : i32
      %swap3A_207 = arith.constant 11 : i32
      %swap3A_208 = arith.index_cast %swap3A_207 : i32 to index
      %swap3A_209 = arith.index_cast %mul3A_206 : i32 to index
      %swap3A_210 = tpu.vector_load %arg13[%swap3A_208, %swap3A_209] {strides = array<i32>} : memref<16x128xf32, #tpu.memory_space<vmem>>, vector<16xf32>,
      tpu.vector_store %arg13[%swap3A_208, %swap3A_209], %gather3A_204 {strides = array<i32>} : memref<16x128xf32, #tpu.memory_space<vmem>>, vector<16xf32>,
      %add3A_211 = arith.constant 12 : i32
      %add3A_212 = vector.broadcast %add3A_211 : i32 to vector<16xi32>
      %add3A_213 = arith.addi %add3A_92, %add3A_212 : vector<16xi32>
      %gather3A_214 = tpu.vector_load_idx %arg12[%add3A_213, %get3A_83] : memref<4096x16xf32, #tpu.memory_space<vmem>>[vector<16xi32>, vector<16xi32>], vector<16xf32>,
      %mul3A_215 = arith.constant 16 : i32
      %mul3A_216 = arith.muli %scan3A_77, %mul3A_215 : i32
      %swap3A_217 = arith.constant 12 : i32
      %swap3A_218 = arith.index_cast %swap3A_217 : i32 to index
      %swap3A_219 = arith.index_cast %mul3A_216 : i32 to index
      %swap3A_220 = tpu.vector_load %arg13[%swap3A_218, %swap3A_219] {strides = array<i32>} : memref<16x128xf32, #tpu.memory_space<vmem>>, vector<16xf32>,
      tpu.vector_store %arg13[%swap3A_218, %swap3A_219], %gather3A_214 {strides = array<i32>} : memref<16x128xf32, #tpu.memory_space<vmem>>, vector<16xf32>,
      %add3A_221 = arith.constant 13 : i32
      %add3A_222 = vector.broadcast %add3A_221 : i32 to vector<16xi32>
      %add3A_223 = arith.addi %add3A_92, %add3A_222 : vector<16xi32>
      %gather3A_224 = tpu.vector_load_idx %arg12[%add3A_223, %get3A_83] : memref<4096x16xf32, #tpu.memory_space<vmem>>[vector<16xi32>, vector<16xi32>], vector<16xf32>,
      %mul3A_225 = arith.constant 16 : i32
      %mul3A_226 = arith.muli %scan3A_77, %mul3A_225 : i32
      %swap3A_227 = arith.constant 13 : i32
      %swap3A_228 = arith.index_cast %swap3A_227 : i32 to index
      %swap3A_229 = arith.index_cast %mul3A_226 : i32 to index
      %swap3A_230 = tpu.vector_load %arg13[%swap3A_228, %swap3A_229] {strides = array<i32>} : memref<16x128xf32, #tpu.memory_space<vmem>>, vector<16xf32>,
      tpu.vector_store %arg13[%swap3A_228, %swap3A_229], %gather3A_224 {strides = array<i32>} : memref<16x128xf32, #tpu.memory_space<vmem>>, vector<16xf32>,
      %add3A_231 = arith.constant 14 : i32
      %add3A_232 = vector.broadcast %add3A_231 : i32 to vector<16xi32>
      %add3A_233 = arith.addi %add3A_92, %add3A_232 : vector<16xi32>
      %gather3A_234 = tpu.vector_load_idx %arg12[%add3A_233, %get3A_83] : memref<4096x16xf32, #tpu.memory_space<vmem>>[vector<16xi32>, vector<16xi32>], vector<16xf32>,
      %mul3A_235 = arith.constant 16 : i32
      %mul3A_236 = arith.muli %scan3A_77, %mul3A_235 : i32
      %swap3A_237 = arith.constant 14 : i32
      %swap3A_238 = arith.index_cast %swap3A_237 : i32 to index
      %swap3A_239 = arith.index_cast %mul3A_236 : i32 to index
      %swap3A_240 = tpu.vector_load %arg13[%swap3A_238, %swap3A_239] {strides = array<i32>} : memref<16x128xf32, #tpu.memory_space<vmem>>, vector<16xf32>,
      tpu.vector_store %arg13[%swap3A_238, %swap3A_239], %gather3A_234 {strides = array<i32>} : memref<16x128xf32, #tpu.memory_space<vmem>>, vector<16xf32>,
      %add3A_241 = arith.constant 15 : i32
      %add3A_242 = vector.broadcast %add3A_241 : i32 to vector<16xi32>
      %add3A_243 = arith.addi %add3A_92, %add3A_242 : vector<16xi32>
      %gather3A_244 = tpu.vector_load_idx %arg12[%add3A_243, %get3A_83] : memref<4096x16xf32, #tpu.memory_space<vmem>>[vector<16xi32>, vector<16xi32>], vector<16xf32>,
      %mul3A_245 = arith.constant 16 : i32
      %mul3A_246 = arith.muli %scan3A_77, %mul3A_245 : i32
      %swap3A_247 = arith.constant 15 : i32
      %swap3A_248 = arith.index_cast %swap3A_247 : i32 to index
      %swap3A_249 = arith.index_cast %mul3A_246 : i32 to index
      %swap3A_250 = tpu.vector_load %arg13[%swap3A_248, %swap3A_249] {strides = array<i32>} : memref<16x128xf32, #tpu.memory_space<vmem>>, vector<16xf32>,
      tpu.vector_store %arg13[%swap3A_248, %swap3A_249], %gather3A_244 {strides = array<i32>} : memref<16x128xf32, #tpu.memory_space<vmem>>, vector<16xf32>,
      %scan3A_251 = arith.constant 0 : i32
      scf.yield %scan3A_251 : i32
    }
    %scan3A_39 = arith.constant 8 : i32
    "tpu.region"() ({
      %run_scoped3A = tpu.sem_alloc : memref<!tpu.dma_semaphore, #tpu.memory_space<semaphore_mem>>
      %dma_start3A = arith.constant 400 : i32
      %dma_start3A_77 = tpu.memref_slice %arg8[%dma_start3A, %mul3A_2] : memref<416x4096xf32, #tpu.memory_space<hbm>> -> memref<16x128xf32, #tpu.memory_space<hbm>>
      %dma_start3A_78 = arith.constant 400 : i32
      %dma_start3A_79 = tpu.memref_slice %arg8[%dma_start3A_78, %mul3A_2] : memref<416x4096xf32, #tpu.memory_space<hbm>> -> memref<16x128xf32, #tpu.memory_space<hbm>>
      tpu.enqueue_dma source(%arg13 : memref<16x128xf32, #tpu.memory_space<vmem>>) target(%dma_start3A_79 : memref<16x128xf32, #tpu.memory_space<hbm>>) target_semaphore(%run_scoped3A : memref<!tpu.dma_semaphore, #tpu.memory_space<semaphore_mem>>)
      %dma_wait3A_80 = arith.constant 400 : i32
      %dma_wait3A_81 = tpu.memref_slice %arg8[%dma_wait3A_80, %mul3A_2] : memref<416x4096xf32, #tpu.memory_space<hbm>> -> memref<16x128xf32, #tpu.memory_space<hbm>>
      %dma_wait3A_82 = arith.constant 400 : i32
      %dma_wait3A_83 = tpu.memref_slice %arg8[%dma_wait3A_82, %mul3A_2] : memref<416x4096xf32, #tpu.memory_space<hbm>> -> memref<16x128xf32, #tpu.memory_space<hbm>>
      tpu.wait_dma2 semaphore(%run_scoped3A : memref<!tpu.dma_semaphore, #tpu.memory_space<semaphore_mem>>) src(%arg13 : memref<16x128xf32, #tpu.memory_space<vmem>>) dst(%dma_wait3A_83 : memref<16x128xf32, #tpu.memory_space<hbm>>)
      tpu.yield
    }) : () -> ()
    %dma_wait3A_40 = arith.constant 0 : i32
    %dma_wait3A_41 = arith.constant 0 : i32
    %dma_wait3A_42 = tpu.memref_slice %arg7[%dma_wait3A_40, %dma_wait3A_41] : memref<162500x16xf32, #tpu.memory_space<hbm>> -> memref<1664x16xf32, #tpu.memory_space<hbm>>
    %dma_wait3A_43 = arith.constant 0 : i32
    %dma_wait3A_44 = arith.constant 0 : i32
    %dma_wait3A_45 = tpu.memref_slice %arg7[%dma_wait3A_43, %dma_wait3A_44] : memref<162500x16xf32, #tpu.memory_space<hbm>> -> memref<1664x16xf32, #tpu.memory_space<hbm>>
    tpu.wait_dma2 semaphore(%arg20 : memref<!tpu.dma_semaphore, #tpu.memory_space<semaphore_mem>>) src(%dma_wait3A_45 : memref<1664x16xf32, #tpu.memory_space<hbm>>) dst(%arg16 : memref<1664x16xf32, #tpu.memory_space<vmem>>)
    %scan3A_46 = arith.constant 0 : i32
    %scan3A_47 = arith.constant 0 : i32
    %scan3A_48 = arith.constant 104 : i32
    %scan3A_49 = arith.addi %scan3A_47, %scan3A_48 : i32
    %scan3A_50 = arith.constant 1 : i32
    %scan3A_51 = scf.for %scan3A_77 = %scan3A_47 to %scan3A_49 step %scan3A_50 iter_args(%scan3A_78 = %scan3A_46) -> (i32)  : i32 {
      %mul3A_79 = arith.constant 16 : i32
      %mul3A_80 = arith.muli %scan3A_77, %mul3A_79 : i32
      %get3A = arith.index_cast %mul3A_80 : i32 to index
      %get3A_81 = tpu.vector_load %arg15[%get3A] {strides = array<i32>} : memref<1664xi32, #tpu.memory_space<vmem>>, vector<16xi32>,
      %mul3A_82 = arith.constant 16 : i32
      %mul3A_83 = arith.muli %scan3A_77, %mul3A_82 : i32
      %iota3A_84 = tpu.iota {dimensions = array<i32: 0>} : vector<16xi32>
      %add3A_85 = vector.broadcast %mul3A_83 : i32 to vector<16xi32>
      %add3A_86 = arith.addi %add3A_85, %iota3A_84 : vector<16xi32>
      %gather3A = tpu.vector_load_idx %arg16[%add3A_86, %get3A_81] : memref<1664x16xf32, #tpu.memory_space<vmem>>[vector<16xi32>, vector<16xi32>], vector<16xf32>,
      %mul3A_87 = arith.constant 16 : i32
      %mul3A_88 = arith.muli %scan3A_77, %mul3A_87 : i32
      %add3A_89 = arith.constant 0 : i32
      %add3A_90 = arith.addi %add3A_89, %mul3A_88 : i32
      %swap3A = arith.index_cast %add3A_90 : i32 to index
      %swap3A_91 = tpu.vector_load %arg17[%swap3A] {strides = array<i32>} : memref<3328xf32, #tpu.memory_space<vmem>>, vector<16xf32>,
      tpu.vector_store %arg17[%swap3A], %gather3A {strides = array<i32>} : memref<3328xf32, #tpu.memory_space<vmem>>, vector<16xf32>,
      %scan3A_92 = arith.constant 0 : i32
      scf.yield %scan3A_92 : i32
    }
    %scan3A_52 = arith.constant 104 : i32
    %add3A_53 = arith.constant 1664 : i32
    %add3A_54 = arith.addi %mul3A_4, %add3A_53 : i32
    "tpu.region"() ({
      %run_scoped3A = tpu.sem_alloc : memref<!tpu.dma_semaphore, #tpu.memory_space<semaphore_mem>>
      %dma_start3A = tpu.memref_slice %arg5[%add3A_54] : memref<106496xi32, #tpu.memory_space<hbm>> -> memref<1664xi32, #tpu.memory_space<hbm>>
      %dma_start3A_77 = tpu.memref_slice %arg5[%add3A_54] : memref<106496xi32, #tpu.memory_space<hbm>> -> memref<1664xi32, #tpu.memory_space<hbm>>
      tpu.enqueue_dma source(%dma_start3A_77 : memref<1664xi32, #tpu.memory_space<hbm>>) target(%arg14 : memref<1664xi32, #tpu.memory_space<vmem>>) target_semaphore(%run_scoped3A : memref<!tpu.dma_semaphore, #tpu.memory_space<semaphore_mem>>)
      %dma_wait3A_78 = tpu.memref_slice %arg5[%add3A_54] : memref<106496xi32, #tpu.memory_space<hbm>> -> memref<1664xi32, #tpu.memory_space<hbm>>
      %dma_wait3A_79 = tpu.memref_slice %arg5[%add3A_54] : memref<106496xi32, #tpu.memory_space<hbm>> -> memref<1664xi32, #tpu.memory_space<hbm>>
      tpu.wait_dma2 semaphore(%run_scoped3A : memref<!tpu.dma_semaphore, #tpu.memory_space<semaphore_mem>>) src(%dma_wait3A_79 : memref<1664xi32, #tpu.memory_space<hbm>>) dst(%arg14 : memref<1664xi32, #tpu.memory_space<vmem>>)
      tpu.yield
    }) : () -> ()
    %add3A_55 = arith.constant 1664 : i32
    %add3A_56 = arith.addi %mul3A_4, %add3A_55 : i32
    "tpu.region"() ({
      %run_scoped3A = tpu.sem_alloc : memref<!tpu.dma_semaphore, #tpu.memory_space<semaphore_mem>>
      %dma_start3A = tpu.memref_slice %arg6[%add3A_56] : memref<106496xi32, #tpu.memory_space<hbm>> -> memref<1664xi32, #tpu.memory_space<hbm>>
      %dma_start3A_77 = tpu.memref_slice %arg6[%add3A_56] : memref<106496xi32, #tpu.memory_space<hbm>> -> memref<1664xi32, #tpu.memory_space<hbm>>
      tpu.enqueue_dma source(%dma_start3A_77 : memref<1664xi32, #tpu.memory_space<hbm>>) target(%arg15 : memref<1664xi32, #tpu.memory_space<vmem>>) target_semaphore(%run_scoped3A : memref<!tpu.dma_semaphore, #tpu.memory_space<semaphore_mem>>)
      %dma_wait3A_78 = tpu.memref_slice %arg6[%add3A_56] : memref<106496xi32, #tpu.memory_space<hbm>> -> memref<1664xi32, #tpu.memory_space<hbm>>
      %dma_wait3A_79 = tpu.memref_slice %arg6[%add3A_56] : memref<106496xi32, #tpu.memory_space<hbm>> -> memref<1664xi32, #tpu.memory_space<hbm>>
      tpu.wait_dma2 semaphore(%run_scoped3A : memref<!tpu.dma_semaphore, #tpu.memory_space<semaphore_mem>>) src(%dma_wait3A_79 : memref<1664xi32, #tpu.memory_space<hbm>>) dst(%arg15 : memref<1664xi32, #tpu.memory_space<vmem>>)
      tpu.yield
    }) : () -> ()
    %scan3A_57 = arith.constant 0 : i32
    %scan3A_58 = arith.constant 0 : i32
    %scan3A_59 = arith.constant 13 : i32
    %scan3A_60 = arith.addi %scan3A_58, %scan3A_59 : i32
    %scan3A_61 = arith.constant 1 : i32
    %scan3A_62 = scf.for %scan3A_77 = %scan3A_58 to %scan3A_60 step %scan3A_61 iter_args(%scan3A_78 = %scan3A_57) -> (i32)  : i32 {
      %mul3A_79 = arith.constant 128 : i32
      %mul3A_80 = arith.muli %scan3A_77, %mul3A_79 : i32
      %mul3A_81 = arith.constant 128 : i32
      %mul3A_82 = arith.muli %scan3A_77, %mul3A_81 : i32
      %dma_start3A = arith.constant 0 : i32
      %dma_start3A_83 = tpu.memref_slice %arg16[%mul3A_82, %dma_start3A] : memref<1664x16xf32, #tpu.memory_space<vmem>> -> memref<128x16xf32, #tpu.memory_space<vmem>>
      %dma_start3A_84 = tpu.memref_slice %arg14[%mul3A_80] : memref<1664xi32, #tpu.memory_space<vmem>> -> memref<128xi32, #tpu.memory_space<vmem>>
      %dma_start3A_85 = arith.constant 0 : i32
      %dma_start3A_86 = arith.constant 0 : i32
      %dma_start3A_87 = tpu.memref_slice %arg7[%dma_start3A_85, %dma_start3A_86] : memref<162500x16xf32, #tpu.memory_space<hbm>> -> memref<162500x16xf32, #tpu.memory_space<hbm>>
      tpu.enqueue_indirect_dma source(%dma_start3A_87 : memref<162500x16xf32, #tpu.memory_space<hbm>>) target(%dma_start3A_83 : memref<128x16xf32, #tpu.memory_space<vmem>>) offsets(%dma_start3A_84 : memref<128xi32, #tpu.memory_space<vmem>>) semaphore(%arg20 : memref<!tpu.dma_semaphore, #tpu.memory_space<semaphore_mem>>)
      %scan3A_88 = arith.constant 0 : i32
      scf.yield %scan3A_88 : i32
    }
    %scan3A_63 = arith.constant 13 : i32
    %dma_wait3A_64 = arith.constant 0 : i32
    %dma_wait3A_65 = arith.constant 0 : i32
    %dma_wait3A_66 = tpu.memref_slice %arg7[%dma_wait3A_64, %dma_wait3A_65] : memref<162500x16xf32, #tpu.memory_space<hbm>> -> memref<1664x16xf32, #tpu.memory_space<hbm>>
    %dma_wait3A_67 = arith.constant 0 : i32
    %dma_wait3A_68 = arith.constant 0 : i32
    %dma_wait3A_69 = tpu.memref_slice %arg7[%dma_wait3A_67, %dma_wait3A_68] : memref<162500x16xf32, #tpu.memory_space<hbm>> -> memref<1664x16xf32, #tpu.memory_space<hbm>>
    tpu.wait_dma2 semaphore(%arg20 : memref<!tpu.dma_semaphore, #tpu.memory_space<semaphore_mem>>) src(%dma_wait3A_69 : memref<1664x16xf32, #tpu.memory_space<hbm>>) dst(%arg16 : memref<1664x16xf32, #tpu.memory_space<vmem>>)
    %scan3A_70 = arith.constant 0 : i32
    %scan3A_71 = arith.constant 0 : i32
    %scan3A_72 = arith.constant 104 : i32
    %scan3A_73 = arith.addi %scan3A_71, %scan3A_72 : i32
    %scan3A_74 = arith.constant 1 : i32
    %scan3A_75 = scf.for %scan3A_77 = %scan3A_71 to %scan3A_73 step %scan3A_74 iter_args(%scan3A_78 = %scan3A_70) -> (i32)  : i32 {
      %mul3A_79 = arith.constant 16 : i32
      %mul3A_80 = arith.muli %scan3A_77, %mul3A_79 : i32
      %get3A = arith.index_cast %mul3A_80 : i32 to index
      %get3A_81 = tpu.vector_load %arg15[%get3A] {strides = array<i32>} : memref<1664xi32, #tpu.memory_space<vmem>>, vector<16xi32>,
      %mul3A_82 = arith.constant 16 : i32
      %mul3A_83 = arith.muli %scan3A_77, %mul3A_82 : i32
      %iota3A_84 = tpu.iota {dimensions = array<i32: 0>} : vector<16xi32>
      %add3A_85 = vector.broadcast %mul3A_83 : i32 to vector<16xi32>
      %add3A_86 = arith.addi %add3A_85, %iota3A_84 : vector<16xi32>
      %gather3A = tpu.vector_load_idx %arg16[%add3A_86, %get3A_81] : memref<1664x16xf32, #tpu.memory_space<vmem>>[vector<16xi32>, vector<16xi32>], vector<16xf32>,
      %mul3A_87 = arith.constant 16 : i32
      %mul3A_88 = arith.muli %scan3A_77, %mul3A_87 : i32
      %add3A_89 = arith.constant 1664 : i32
      %add3A_90 = arith.addi %add3A_89, %mul3A_88 : i32
      %swap3A = arith.index_cast %add3A_90 : i32 to index
      %swap3A_91 = tpu.vector_load %arg17[%swap3A] {strides = array<i32>} : memref<3328xf32, #tpu.memory_space<vmem>>, vector<16xf32>,
      tpu.vector_store %arg17[%swap3A], %gather3A {strides = array<i32>} : memref<3328xf32, #tpu.memory_space<vmem>>, vector<16xf32>,
      %scan3A_92 = arith.constant 0 : i32
      scf.yield %scan3A_92 : i32
    }
    %scan3A_76 = arith.constant 104 : i32
    "tpu.region"() ({
      %run_scoped3A = tpu.sem_alloc : memref<!tpu.dma_semaphore, #tpu.memory_space<semaphore_mem>>
      %dma_start3A = tpu.memref_slice %arg9[%mul3A_4] : memref<106496xf32, #tpu.memory_space<hbm>> -> memref<3328xf32, #tpu.memory_space<hbm>>
      %dma_start3A_77 = tpu.memref_slice %arg9[%mul3A_4] : memref<106496xf32, #tpu.memory_space<hbm>> -> memref<3328xf32, #tpu.memory_space<hbm>>
      tpu.enqueue_dma source(%arg17 : memref<3328xf32, #tpu.memory_space<vmem>>) target(%dma_start3A_77 : memref<3328xf32, #tpu.memory_space<hbm>>) target_semaphore(%run_scoped3A : memref<!tpu.dma_semaphore, #tpu.memory_space<semaphore_mem>>)
      %dma_wait3A_78 = tpu.memref_slice %arg9[%mul3A_4] : memref<106496xf32, #tpu.memory_space<hbm>> -> memref<3328xf32, #tpu.memory_space<hbm>>
      %dma_wait3A_79 = tpu.memref_slice %arg9[%mul3A_4] : memref<106496xf32, #tpu.memory_space<hbm>> -> memref<3328xf32, #tpu.memory_space<hbm>>
      tpu.wait_dma2 semaphore(%run_scoped3A : memref<!tpu.dma_semaphore, #tpu.memory_space<semaphore_mem>>) src(%arg17 : memref<3328xf32, #tpu.memory_space<vmem>>) dst(%dma_wait3A_79 : memref<3328xf32, #tpu.memory_space<hbm>>)
      tpu.yield
    }) : () -> ()
    return
  }
}

module attributes {stable_mosaic.version = 14 : i64} {
  func.func @_tc_body(%arg0: i32, %arg1: memref<416x2048xf32, #tpu.memory_space<vmem>>, %arg2: memref<2048x26xf32, #tpu.memory_space<vmem>>, %arg3: memref<13x2048xf32, #tpu.memory_space<vmem>>, %arg4: memref<13x208xf32, #tpu.memory_space<vmem>>, %arg5: memref<13x16xf32, #tpu.memory_space<vmem>>, %arg6: memref<13x1xf32, #tpu.memory_space<vmem>>, %arg7: memref<208x400xf32, #tpu.memory_space<vmem>>, %arg8: memref<416x400xf32, #tpu.memory_space<vmem>>, %arg9: memref<400x1xf32, #tpu.memory_space<vmem>>, %arg10: memref<400x400xf32, #tpu.memory_space<vmem>>, %arg11: memref<400x1xf32, #tpu.memory_space<vmem>>, %arg12: memref<400x400xf32, #tpu.memory_space<vmem>>, %arg13: memref<400x1xf32, #tpu.memory_space<vmem>>, %arg14: memref<400x1xf32, #tpu.memory_space<vmem>>, %arg15: memref<1x1xf32, #tpu.memory_space<vmem>>, %arg16: memref<1x2048xf32, #tpu.memory_space<vmem>>) attributes {dimension_semantics = [#tpu.dimension_semantics<arbitrary>], iteration_bounds = array<i64: 2>, scalar_prefetch = 0 : i64, scratch_operands = 0 : i64, tpu.core_type = #tpu.core_type<tc>, window_params = [{transform_indices = @transform_0, window_bounds = array<i64: 416, 2048>}, {transform_indices = @transform_1, window_bounds = array<i64: 2048, 26>}, {transform_indices = @transform_2, window_bounds = array<i64: 13, 2048>}, {pipeline_mode = #tpu.pipeline_mode<synchronous>, transform_indices = @transform_3, window_bounds = array<i64: 13, 208>}, {pipeline_mode = #tpu.pipeline_mode<synchronous>, transform_indices = @transform_4, window_bounds = array<i64: 13, 16>}, {pipeline_mode = #tpu.pipeline_mode<synchronous>, transform_indices = @transform_5, window_bounds = array<i64: 13, 1>}, {pipeline_mode = #tpu.pipeline_mode<synchronous>, transform_indices = @transform_6, window_bounds = array<i64: 208, 400>}, {pipeline_mode = #tpu.pipeline_mode<synchronous>, transform_indices = @transform_7, window_bounds = array<i64: 416, 400>}, {pipeline_mode = #tpu.pipeline_mode<synchronous>, transform_indices = @transform_8, window_bounds = array<i64: 400, 1>}, {pipeline_mode = #tpu.pipeline_mode<synchronous>, transform_indices = @transform_9, window_bounds = array<i64: 400, 400>}, {pipeline_mode = #tpu.pipeline_mode<synchronous>, transform_indices = @transform_10, window_bounds = array<i64: 400, 1>}, {pipeline_mode = #tpu.pipeline_mode<synchronous>, transform_indices = @transform_11, window_bounds = array<i64: 400, 400>}, {pipeline_mode = #tpu.pipeline_mode<synchronous>, transform_indices = @transform_12, window_bounds = array<i64: 400, 1>}, {pipeline_mode = #tpu.pipeline_mode<synchronous>, transform_indices = @transform_13, window_bounds = array<i64: 400, 1>}, {pipeline_mode = #tpu.pipeline_mode<synchronous>, transform_indices = @transform_14, window_bounds = array<i64: 1, 1>}, {transform_indices = @transform_15, window_bounds = array<i64: 1, 2048>}]} {
    %get3A = arith.constant 0 : index
    %get3A_0 = arith.constant 0 : index
    %get3A_1 = vector.load %arg1[%get3A, %get3A_0] : memref<416x2048xf32, #tpu.memory_space<vmem>>, vector<416x2048xf32>
    %get3A_2 = arith.constant 0 : index
    %get3A_3 = arith.constant 0 : index
    %get3A_4 = vector.load %arg3[%get3A_2, %get3A_3] : memref<13x2048xf32, #tpu.memory_space<vmem>>, vector<13x2048xf32>
    %get3A_5 = arith.constant 0 : index
    %get3A_6 = arith.constant 0 : index
    %get3A_7 = vector.load %arg4[%get3A_5, %get3A_6] : memref<13x208xf32, #tpu.memory_space<vmem>>, vector<13x208xf32>
    %dot_general3A = arith.constant dense<0.000000e+00> : vector<208x2048xf32>
    %dot_general3A_8 = tpu.matmul %get3A_7, %get3A_4, %dot_general3A {dimension_numbers = #tpu.dot_dimension_numbers<[0], [0], [1], [1], [0, 1, 1, 1], [], []>, transpose_lhs_hint = false} : vector<13x208xf32>, vector<13x2048xf32>, vector<208x2048xf32> -> vector<208x2048xf32>
    %get3A_9 = arith.constant 0 : index
    %get3A_10 = arith.constant 0 : index
    %get3A_11 = vector.load %arg7[%get3A_9, %get3A_10] : memref<208x400xf32, #tpu.memory_space<vmem>>, vector<208x400xf32>
    %dot_general3A_12 = arith.constant dense<0.000000e+00> : vector<400x2048xf32>
    %dot_general3A_13 = tpu.matmul %get3A_11, %dot_general3A_8, %dot_general3A_12 {dimension_numbers = #tpu.dot_dimension_numbers<[0], [0], [1], [1], [0, 1, 1, 1], [], []>, transpose_lhs_hint = false} : vector<208x400xf32>, vector<208x2048xf32>, vector<400x2048xf32> -> vector<400x2048xf32>
    %get3A_14 = arith.constant 0 : index
    %get3A_15 = arith.constant 0 : index
    %get3A_16 = vector.load %arg8[%get3A_14, %get3A_15] : memref<416x400xf32, #tpu.memory_space<vmem>>, vector<416x400xf32>
    %dot_general3A_17 = arith.constant dense<0.000000e+00> : vector<400x2048xf32>
    %dot_general3A_18 = tpu.matmul %get3A_16, %get3A_1, %dot_general3A_17 {dimension_numbers = #tpu.dot_dimension_numbers<[0], [0], [1], [1], [0, 1, 1, 1], [], []>, transpose_lhs_hint = false} : vector<416x400xf32>, vector<416x2048xf32>, vector<400x2048xf32> -> vector<400x2048xf32>
    %add3A = arith.addf %dot_general3A_13, %dot_general3A_18 : vector<400x2048xf32>
    %get3A_19 = arith.constant 0 : index
    %get3A_20 = arith.constant 0 : index
    %get3A_21 = vector.load %arg9[%get3A_19, %get3A_20] : memref<400x1xf32, #tpu.memory_space<vmem>>, vector<400x1xf32>
    %add3A_22 = vector.broadcast %get3A_21 : vector<400x1xf32> to vector<400x2048xf32>
    %add3A_23 = arith.addf %add3A, %add3A_22 : vector<400x2048xf32>
    %max3A = arith.constant 0.000000e+00 : f32
    %max3A_24 = vector.broadcast %max3A : f32 to vector<400x2048xf32>
    %max3A_25 = arith.maximumf %add3A_23, %max3A_24 : vector<400x2048xf32>
    %get3A_26 = arith.constant 0 : index
    %get3A_27 = arith.constant 0 : index
    %get3A_28 = vector.load %arg10[%get3A_26, %get3A_27] : memref<400x400xf32, #tpu.memory_space<vmem>>, vector<400x400xf32>
    %dot_general3A_29 = arith.constant dense<0.000000e+00> : vector<400x2048xf32>
    %dot_general3A_30 = tpu.matmul %get3A_28, %max3A_25, %dot_general3A_29 {dimension_numbers = #tpu.dot_dimension_numbers<[0], [0], [1], [1], [0, 1, 1, 1], [], []>, transpose_lhs_hint = false} : vector<400x400xf32>, vector<400x2048xf32>, vector<400x2048xf32> -> vector<400x2048xf32>
    %get3A_31 = arith.constant 0 : index
    %get3A_32 = arith.constant 0 : index
    %get3A_33 = vector.load %arg11[%get3A_31, %get3A_32] : memref<400x1xf32, #tpu.memory_space<vmem>>, vector<400x1xf32>
    %add3A_34 = vector.broadcast %get3A_33 : vector<400x1xf32> to vector<400x2048xf32>
    %add3A_35 = arith.addf %dot_general3A_30, %add3A_34 : vector<400x2048xf32>
    %max3A_36 = arith.constant 0.000000e+00 : f32
    %max3A_37 = vector.broadcast %max3A_36 : f32 to vector<400x2048xf32>
    %max3A_38 = arith.maximumf %add3A_35, %max3A_37 : vector<400x2048xf32>
    %get3A_39 = arith.constant 0 : index
    %get3A_40 = arith.constant 0 : index
    %get3A_41 = vector.load %arg12[%get3A_39, %get3A_40] : memref<400x400xf32, #tpu.memory_space<vmem>>, vector<400x400xf32>
    %dot_general3A_42 = arith.constant dense<0.000000e+00> : vector<400x2048xf32>
    %dot_general3A_43 = tpu.matmul %get3A_41, %max3A_38, %dot_general3A_42 {dimension_numbers = #tpu.dot_dimension_numbers<[0], [0], [1], [1], [0, 1, 1, 1], [], []>, transpose_lhs_hint = false} : vector<400x400xf32>, vector<400x2048xf32>, vector<400x2048xf32> -> vector<400x2048xf32>
    %get3A_44 = arith.constant 0 : index
    %get3A_45 = arith.constant 0 : index
    %get3A_46 = vector.load %arg13[%get3A_44, %get3A_45] : memref<400x1xf32, #tpu.memory_space<vmem>>, vector<400x1xf32>
    %add3A_47 = vector.broadcast %get3A_46 : vector<400x1xf32> to vector<400x2048xf32>
    %add3A_48 = arith.addf %dot_general3A_43, %add3A_47 : vector<400x2048xf32>
    %max3A_49 = arith.constant 0.000000e+00 : f32
    %max3A_50 = vector.broadcast %max3A_49 : f32 to vector<400x2048xf32>
    %max3A_51 = arith.maximumf %add3A_48, %max3A_50 : vector<400x2048xf32>
    %get3A_52 = arith.constant 0 : index
    %get3A_53 = arith.constant 0 : index
    %get3A_54 = vector.load %arg14[%get3A_52, %get3A_53] : memref<400x1xf32, #tpu.memory_space<vmem>>, vector<400x1xf32>
    %dot_general3A_55 = arith.constant dense<0.000000e+00> : vector<1x2048xf32>
    %dot_general3A_56 = tpu.matmul %get3A_54, %max3A_51, %dot_general3A_55 {dimension_numbers = #tpu.dot_dimension_numbers<[0], [0], [1], [1], [0, 1, 1, 1], [], []>, transpose_lhs_hint = false} : vector<400x1xf32>, vector<400x2048xf32>, vector<1x2048xf32> -> vector<1x2048xf32>
    %iota3A = tpu.iota {dimensions = array<i32: 0>} : vector<416x16xi32>
    %iota3A_57 = tpu.iota {dimensions = array<i32: 1>} : vector<416x16xi32>
    %jit3A = arith.constant 16 : i32
    %eq3A = arith.constant 0 : i32
    %eq3A_58 = arith.cmpi eq, %jit3A, %eq3A : i32
    %jit3A_59 = arith.constant 1 : i32
    %select_n3A = arith.select %eq3A_58, %jit3A_59, %jit3A : i32
    %rem3A = vector.broadcast %select_n3A : i32 to vector<416x16xi32>
    %rem3A_60 = arith.remsi %iota3A, %rem3A : vector<416x16xi32>
    %ne3A = arith.constant 0 : i32
    %ne3A_61 = vector.broadcast %ne3A : i32 to vector<416x16xi32>
    %ne3A_62 = arith.cmpi ne, %rem3A_60, %ne3A_61 : vector<416x16xi32>
    %lt3A = arith.constant 0 : i32
    %lt3A_63 = vector.broadcast %lt3A : i32 to vector<416x16xi32>
    %lt3A_64 = arith.cmpi slt, %rem3A_60, %lt3A_63 : vector<416x16xi32>
    %lt3A_65 = arith.constant 0 : i32
    %lt3A_66 = arith.cmpi slt, %select_n3A, %lt3A_65 : i32
    %ne3A_67 = vector.broadcast %lt3A_66 : i1 to vector<416x16xi1>
    %ne3A_68 = vector.broadcast %ne3A_67 : vector<416x16xi1> to vector<416x16xi1>
    %ne3A_69 = arith.xori %lt3A_64, %ne3A_68 : vector<416x16xi1>
    %and3A = arith.andi %ne3A_69, %ne3A_62 : vector<416x16xi1>
    %add3A_70 = vector.broadcast %select_n3A : i32 to vector<416x16xi32>
    %add3A_71 = arith.addi %rem3A_60, %add3A_70 : vector<416x16xi32>
    %select_n3A_72 = arith.select %and3A, %add3A_71, %rem3A_60 : vector<416x16xi1>, vector<416x16xi32>
    %eq3A_73 = arith.cmpi eq, %select_n3A_72, %iota3A_57 : vector<416x16xi32>
    %jit3A_74 = arith.constant 1.000000e+00 : f32
    %jit3A_75 = arith.constant 0.000000e+00 : f32
    %broadcast_in_dim3A = vector.broadcast %jit3A_74 : f32 to vector<416x16xf32>
    %broadcast_in_dim3A_76 = vector.broadcast %jit3A_75 : f32 to vector<416x16xf32>
    %select_n3A_77 = arith.select %eq3A_73, %broadcast_in_dim3A, %broadcast_in_dim3A_76 : vector<416x16xi1>, vector<416x16xf32>
    %get3A_78 = arith.constant 0 : index
    %get3A_79 = arith.constant 0 : index
    %get3A_80 = vector.load %arg5[%get3A_78, %get3A_79] : memref<13x16xf32, #tpu.memory_space<vmem>>, vector<13x16xf32>
    %dot_general3A_81 = arith.constant dense<0.000000e+00> : vector<16x2048xf32>
    %dot_general3A_82 = tpu.matmul %get3A_80, %get3A_4, %dot_general3A_81 {dimension_numbers = #tpu.dot_dimension_numbers<[0], [0], [1], [1], [0, 1, 1, 1], [], []>, transpose_lhs_hint = false} : vector<13x16xf32>, vector<13x2048xf32>, vector<16x2048xf32> -> vector<16x2048xf32>
    %dot_general3A_83 = arith.constant dense<0.000000e+00> : vector<16x2048xf32>
    %dot_general3A_84 = tpu.matmul %select_n3A_77, %get3A_1, %dot_general3A_83 {dimension_numbers = #tpu.dot_dimension_numbers<[0], [0], [1], [1], [0, 1, 1, 1], [], []>, transpose_lhs_hint = false} : vector<416x16xf32>, vector<416x2048xf32>, vector<16x2048xf32> -> vector<16x2048xf32>
    %add3A_85 = arith.addf %dot_general3A_82, %dot_general3A_84 : vector<16x2048xf32>
    %mul3A = arith.mulf %get3A_80, %get3A_80 : vector<13x16xf32>
    %mul3A_86 = arith.mulf %get3A_4, %get3A_4 : vector<13x2048xf32>
    %dot_general3A_87 = arith.constant dense<0.000000e+00> : vector<16x2048xf32>
    %dot_general3A_88 = tpu.matmul %mul3A, %mul3A_86, %dot_general3A_87 {dimension_numbers = #tpu.dot_dimension_numbers<[0], [0], [1], [1], [0, 1, 1, 1], [], []>, transpose_lhs_hint = false} : vector<13x16xf32>, vector<13x2048xf32>, vector<16x2048xf32> -> vector<16x2048xf32>
    %mul3A_89 = arith.mulf %get3A_1, %get3A_1 : vector<416x2048xf32>
    %dot_general3A_90 = arith.constant dense<0.000000e+00> : vector<16x2048xf32>
    %dot_general3A_91 = tpu.matmul %select_n3A_77, %mul3A_89, %dot_general3A_90 {dimension_numbers = #tpu.dot_dimension_numbers<[0], [0], [1], [1], [0, 1, 1, 1], [], []>, transpose_lhs_hint = false} : vector<416x16xf32>, vector<416x2048xf32>, vector<16x2048xf32> -> vector<16x2048xf32>
    %add3A_92 = arith.addf %dot_general3A_88, %dot_general3A_91 : vector<16x2048xf32>
    %mul3A_93 = arith.mulf %add3A_85, %add3A_85 : vector<16x2048xf32>
    %sub3A = arith.subf %mul3A_93, %add3A_92 : vector<16x2048xf32>
    %reduce_sum3A = arith.constant dense<0.000000e+00> : vector<2048xf32>
    %reduce_sum3A_94 = vector.multi_reduction <add>, %sub3A, %reduce_sum3A [0] : vector<16x2048xf32> to vector<2048xf32>
    %broadcast_in_dim3A_95 = vector.shape_cast %reduce_sum3A_94 : vector<2048xf32> to vector<1x2048xf32>
    %mul3A_96 = arith.constant 5.000000e-01 : f32
    %mul3A_97 = vector.broadcast %mul3A_96 : f32 to vector<1x2048xf32>
    %mul3A_98 = arith.mulf %mul3A_97, %broadcast_in_dim3A_95 : vector<1x2048xf32>
    %broadcast_in_dim3A_99 = arith.constant 1.000000e+00 : f32
    %broadcast_in_dim3A_100 = vector.broadcast %broadcast_in_dim3A_99 : f32 to vector<1x26xf32>
    %get3A_101 = arith.constant 0 : index
    %get3A_102 = arith.constant 0 : index
    %get3A_103 = vector.load %arg6[%get3A_101, %get3A_102] : memref<13x1xf32, #tpu.memory_space<vmem>>, vector<13x1xf32>
    %dot_general3A_104 = arith.constant dense<0.000000e+00> : vector<1x2048xf32>
    %dot_general3A_105 = tpu.matmul %get3A_103, %get3A_4, %dot_general3A_104 {dimension_numbers = #tpu.dot_dimension_numbers<[0], [0], [1], [1], [0, 1, 1, 1], [], []>, transpose_lhs_hint = false} : vector<13x1xf32>, vector<13x2048xf32>, vector<1x2048xf32> -> vector<1x2048xf32>
    %get3A_106 = arith.constant 0 : index
    %get3A_107 = arith.constant 0 : index
    %get3A_108 = vector.load %arg2[%get3A_106, %get3A_107] : memref<2048x26xf32, #tpu.memory_space<vmem>>, vector<2048x26xf32>
    %dot_general3A_109 = arith.constant dense<0.000000e+00> : vector<1x2048xf32>
    %dot_general3A_110 = tpu.matmul %broadcast_in_dim3A_100, %get3A_108, %dot_general3A_109 {dimension_numbers = #tpu.dot_dimension_numbers<[1], [1], [0], [0], [0, 0, 1, 0], [], []>, transpose_lhs_hint = false} : vector<1x26xf32>, vector<2048x26xf32>, vector<1x2048xf32> -> vector<1x2048xf32>
    %add3A_111 = arith.addf %dot_general3A_105, %dot_general3A_110 : vector<1x2048xf32>
    %get3A_112 = arith.constant 0 : index
    %get3A_113 = arith.constant 0 : index
    %get3A_114 = vector.load %arg15[%get3A_112, %get3A_113] : memref<1x1xf32, #tpu.memory_space<vmem>>, vector<1x1xf32>
    %add3A_115 = vector.broadcast %get3A_114 : vector<1x1xf32> to vector<1x2048xf32>
    %add3A_116 = arith.addf %add3A_115, %add3A_111 : vector<1x2048xf32>
    %add3A_117 = arith.addf %add3A_116, %mul3A_98 : vector<1x2048xf32>
    %add3A_118 = arith.addf %add3A_117, %dot_general3A_56 : vector<1x2048xf32>
    %swap3A = arith.constant 0 : index
    %swap3A_119 = arith.constant 0 : index
    %swap3A_120 = vector.load %arg16[%swap3A, %swap3A_119] : memref<1x2048xf32, #tpu.memory_space<vmem>>, vector<1x2048xf32>
    tpu.vector_store %arg16[%swap3A, %swap3A_119], %add3A_118 {strides = array<i32>} : memref<1x2048xf32, #tpu.memory_space<vmem>>, vector<1x2048xf32>,
    return
  }
  func.func @transform_0(%arg0: i32) -> (i32, i32) {
    %c0_i32 = arith.constant 0 : i32
    %c0_i32_0 = arith.constant 0 : i32
    return %c0_i32, %arg0 : i32, i32
  }
  func.func @transform_1(%arg0: i32) -> (i32, i32) {
    %c0_i32 = arith.constant 0 : i32
    %c0_i32_0 = arith.constant 0 : i32
    return %arg0, %c0_i32 : i32, i32
  }
  func.func @transform_2(%arg0: i32) -> (i32, i32) {
    %c0_i32 = arith.constant 0 : i32
    %c0_i32_0 = arith.constant 0 : i32
    return %c0_i32, %arg0 : i32, i32
  }
  func.func @transform_3(%arg0: i32) -> (i32, i32) {
    %c0_i32 = arith.constant 0 : i32
    %c0_i32_0 = arith.constant 0 : i32
    %c0_i32_1 = arith.constant 0 : i32
    return %c0_i32, %c0_i32_0 : i32, i32
  }
  func.func @transform_4(%arg0: i32) -> (i32, i32) {
    %c0_i32 = arith.constant 0 : i32
    %c0_i32_0 = arith.constant 0 : i32
    %c0_i32_1 = arith.constant 0 : i32
    return %c0_i32, %c0_i32_0 : i32, i32
  }
  func.func @transform_5(%arg0: i32) -> (i32, i32) {
    %c0_i32 = arith.constant 0 : i32
    %c0_i32_0 = arith.constant 0 : i32
    %c0_i32_1 = arith.constant 0 : i32
    return %c0_i32, %c0_i32_0 : i32, i32
  }
  func.func @transform_6(%arg0: i32) -> (i32, i32) {
    %c0_i32 = arith.constant 0 : i32
    %c0_i32_0 = arith.constant 0 : i32
    %c0_i32_1 = arith.constant 0 : i32
    return %c0_i32, %c0_i32_0 : i32, i32
  }
  func.func @transform_7(%arg0: i32) -> (i32, i32) {
    %c0_i32 = arith.constant 0 : i32
    %c0_i32_0 = arith.constant 0 : i32
    %c0_i32_1 = arith.constant 0 : i32
    return %c0_i32, %c0_i32_0 : i32, i32
  }
  func.func @transform_8(%arg0: i32) -> (i32, i32) {
    %c0_i32 = arith.constant 0 : i32
    %c0_i32_0 = arith.constant 0 : i32
    %c0_i32_1 = arith.constant 0 : i32
    return %c0_i32, %c0_i32_0 : i32, i32
  }
  func.func @transform_9(%arg0: i32) -> (i32, i32) {
    %c0_i32 = arith.constant 0 : i32
    %c0_i32_0 = arith.constant 0 : i32
    %c0_i32_1 = arith.constant 0 : i32
    return %c0_i32, %c0_i32_0 : i32, i32
  }
  func.func @transform_10(%arg0: i32) -> (i32, i32) {
    %c0_i32 = arith.constant 0 : i32
    %c0_i32_0 = arith.constant 0 : i32
    %c0_i32_1 = arith.constant 0 : i32
    return %c0_i32, %c0_i32_0 : i32, i32
  }
  func.func @transform_11(%arg0: i32) -> (i32, i32) {
    %c0_i32 = arith.constant 0 : i32
    %c0_i32_0 = arith.constant 0 : i32
    %c0_i32_1 = arith.constant 0 : i32
    return %c0_i32, %c0_i32_0 : i32, i32
  }
  func.func @transform_12(%arg0: i32) -> (i32, i32) {
    %c0_i32 = arith.constant 0 : i32
    %c0_i32_0 = arith.constant 0 : i32
    %c0_i32_1 = arith.constant 0 : i32
    return %c0_i32, %c0_i32_0 : i32, i32
  }
  func.func @transform_13(%arg0: i32) -> (i32, i32) {
    %c0_i32 = arith.constant 0 : i32
    %c0_i32_0 = arith.constant 0 : i32
    %c0_i32_1 = arith.constant 0 : i32
    return %c0_i32, %c0_i32_0 : i32, i32
  }
  func.func @transform_14(%arg0: i32) -> (i32, i32) {
    %c0_i32 = arith.constant 0 : i32
    %c0_i32_0 = arith.constant 0 : i32
    %c0_i32_1 = arith.constant 0 : i32
    return %c0_i32, %c0_i32_0 : i32, i32
  }
  func.func @transform_15(%arg0: i32) -> (i32, i32) {
    %c0_i32 = arith.constant 0 : i32
    %c0_i32_0 = arith.constant 0 : i32
    return %c0_i32, %arg0 : i32, i32
  }
}

</mosaic_0001>

<sc_bundles>
// kernel: kernel.4.cloned.1.call-start
scs
__scs_entry_jumppad:
0x0: {  	(pc) =	sbr.rel $0x88, $3  }
0x1: {  	(tag) =	ssettag $0x0;
	lr =	simm.s32 $0x1  }
0x2: {  	[smem:$0x3F92] =	sst lr;
	_ =	strace $0xD0000000  }
0x3: {  	_ = 	snop  }
0x4: {  	_ = 	snop  }
0x5: {  	_ = 	snop  }
0x6: {  	_ = 	snop  }
0x7: {  	_ = 	snop  }
__scs_overlays_trampoline_lowered:
0x8: {  	[smem:$0x3FA1] =	sst s0  }
0x9: {  	[smem:$0x3FA2] =	sst s1  }
0xa: {  	[smem:$0x3FA3] =	sst s2  }
0xb: {  	[smem:$0x3FA4] =	sst s3  }
0xc: {  	[smem:$0x3FA5] =	sst s4  }
0xd: {  	[smem:$0x3FA6] =	sst s5  }
0xe: {  	[smem:$0x3FA7] =	sst s6  }
0xf: {  	[smem:$0x3FA8] =	sst s7  }
0x10: {  	[smem:$0x3FA9] =	sst s8  }
0x11: {  	[smem:$0x3FAA] =	sst s9;
	s0 =	simm.s32 @!p0 $0x0  }
0x12: {  	s1 =	sld [smem:$0x3F90];
	s0 =	simm.s32 @p0 $0x1  }
0x13: {  	[smem:$0x3FAB] =	sst s0;
	s0 =	simm.s32 @!p1 $0x0  }
0x14: {  	s2 =	sld [smem:$0x3F8F];
	s0 =	simm.s32 @p1 $0x1  }
0x15: {  	[smem:$0x3FAC] =	sst s0;
	s0 =	simm.s32 @!p2 $0x0  }
0x16: {  	s3 =	sld [smem:$0x3FDB];
	s0 =	simm.s32 @p2 $0x1  }
0x17: {  	s4 =	simm.s32 $0x1BF5;
	[smem:$0x3FAE] =	sst s0  }
0x18: {  	s0 =	sld [smem:$0x3F91];
	_ =	swait.ge [sflag:s4], $0x0  }
0x19: {  	s7 =	sld [smem:$0x3F92]  }
0x1a: {  	s8 =	sadd.s32 $0xFFFFE003, lr  }
0x1b: {  	s9 =	sadd.s32 $0xFFFFFEF7, lr;
	s5 =	simm.s32 $0xFFFFFFFF;
	p2 =	slt.u32 s8, $0xFFFFF086  }
0x1c: {  	p1 =	slt.u32 s9, $0xF7A;
	s5 =	simm.s32 @!p2 $0x0  }
0x1d: {  	s5 =	simm.s32 @p1 $0x1;
	p0 =	seq.s32 s7, s2  }
0x1e: {  	s7 =	smul.u32 @!p0 $0xF7A, s2;
	p2 =	seq.s32 @!p0 s5, $0x0  }
0x1f: {  	s9 =	smul.u32 $0xF7A, s1;
	s8 =	simm.s32 @!p0 $0x1BF5;
	p2 =	por !p2, p0  }
0x20: {  	[sflag:s8] =	ssyncset.s32 @!p0 $0xFFFFF086;
	s6 =	sadd.s32 @!p0 s3, s7;
	s7 =	simm.s32 @!p0 $0x108  }
0x21: {  	s3 =	sadd.s32 s3, s9;
	s6 =	sadd.s32 @!p0 $0x88, s6;
	s7 =	simm.s32 @p2 $0x1082  }
0x22: {  	[simem:s7], [sflag:s8] =	dma.local @!p0 [hbm:s6], $0xF7A  }
0x23: {  	s9 =	sor.u32 $0xD0000000, s2;
	s6 =	simm.s32 $0x108;
	_ =	swait.ge @!p0 [sflag:s8], $0x0  }
0x24: {  	s3 =	sadd.s32 $0x88, s3;
	s6 =	simm.s32 @!p1 $0x1082;
	[sflag:s4] =	ssyncset.s32 $0xFFFFF086  }
0x25: {  	[simem:s6], [sflag:s4] =	dma.local [hbm:s3], $0xF7A  }
0x26: {  	[smem:$0x3F92] =	sst s1;
	(tag) =	ssettag s2;
	_ =	strace s9  }
0x27: {  	s1 =	sld [smem:$0x3FA2]  }
0x28: {  	s2 =	sld [smem:$0x3FA3]  }
0x29: {  	s4 =	sld [smem:$0x3FA5]  }
0x2a: {  	p0 =	seq.s32 s5, $0x0;
	s5 =	sld [smem:$0x3FA6]  }
0x2b: {  	s6 =	sld [smem:$0x3FA7]  }
0x2c: {  	s7 =	sld [smem:$0x3FA8]  }
0x2d: {  	s3 =	simm.s32 $0x108;
	s8 =	sld [smem:$0x3FA9]  }
0x2e: {  	s3 =	simm.s32 @!p0 $0x1082;
	s9 =	sld [smem:$0x3FAA]  }
0x2f: {  	lr =	sadd.s32 s0, s3;
	s0 =	sld [smem:$0x3FA1]  }
0x30: {  	s3 =	sld [smem:$0x3FA4]  }
0x31: {  	[smem:$0x3FAD] =	sst s10  }
0x32: {  	s10 =	sld [smem:$0x3FAB];
	_ =	sdelay $0x3  }
0x33: {  	p0 =	seq.s32 s10, $0x1;
	s10 =	sld [smem:$0x3FAD];
	_ =	sdelay $0x3  }
0x34: {  	[smem:$0x3FAD] =	sst s10  }
0x35: {  	s10 =	sld [smem:$0x3FAC];
	_ =	sdelay $0x3  }
0x36: {  	p1 =	seq.s32 s10, $0x1;
	s10 =	sld [smem:$0x3FAD];
	_ =	sdelay $0x3  }
0x37: {  	[smem:$0x3FAD] =	sst s10  }
0x38: {  	s10 =	sld [smem:$0x3FAE]  }
0x39: {  	_ = 	snop;
	(pc) =	sbr.ind lr, $3  }
0x3a: {  	_ = 	snop  }
0x3b: {  	_ = 	snop  }
0x3c: {  	p2 =	seq.s32 s10, $0x1;
	s10 =	sld [smem:$0x3FAD]  }
0x3d: {  	_ =	shalt  }
0x3e: {  	_ =	shalt  }
0x3f: {  	_ =	shalt  }
0x40: {  	_ =	shalt  }
0x41: {  	_ =	shalt  }
0x42: {  	_ =	shalt  }
0x43: {  	_ =	shalt  }
0x44: {  	_ =	shalt  }
0x45: {  	_ =	shalt  }
0x46: {  	_ =	shalt  }
0x47: {  	_ =	shalt  }
0x48: {  	_ =	shalt  }
0x49: {  	_ =	shalt  }
0x4a: {  	_ =	shalt  }
0x4b: {  	_ =	shalt  }
0x4c: {  	_ =	shalt  }
0x4d: {  	_ =	shalt  }
0x4e: {  	_ =	shalt  }
0x4f: {  	_ =	shalt  }
0x50: {  	_ =	shalt  }
0x51: {  	_ =	shalt  }
0x52: {  	_ =	shalt  }
0x53: {  	_ =	shalt  }
0x54: {  	_ =	shalt  }
0x55: {  	_ =	shalt  }
0x56: {  	_ =	shalt  }
0x57: {  	_ =	shalt  }
0x58: {  	_ =	shalt  }
0x59: {  	_ =	shalt  }
0x5a: {  	_ =	shalt  }
0x5b: {  	_ =	shalt  }
0x5c: {  	_ =	shalt  }
0x5d: {  	_ =	shalt  }
0x5e: {  	_ =	shalt  }
0x5f: {  	_ =	shalt  }
0x60: {  	_ =	shalt  }
0x61: {  	_ =	shalt  }
0x62: {  	_ =	shalt  }
0x63: {  	_ =	shalt  }
0x64: {  	_ =	shalt  }
0x65: {  	_ =	shalt  }
0x66: {  	_ =	shalt  }
0x67: {  	_ =	shalt  }
0x68: {  	_ =	shalt  }
0x69: {  	_ =	shalt  }
0x6a: {  	_ =	shalt  }
0x6b: {  	_ =	shalt  }
0x6c: {  	_ =	shalt  }
0x6d: {  	_ =	shalt  }
0x6e: {  	_ =	shalt  }
0x6f: {  	_ =	shalt  }
0x70: {  	_ =	shalt  }
0x71: {  	_ =	shalt  }
0x72: {  	_ =	shalt  }
0x73: {  	_ =	shalt  }
0x74: {  	_ =	shalt  }
0x75: {  	_ =	shalt  }
0x76: {  	_ =	shalt  }
0x77: {  	_ =	shalt  }
0x78: {  	_ =	shalt  }
0x79: {  	_ =	shalt  }
0x7a: {  	_ =	shalt  }
0x7b: {  	_ =	shalt  }
0x7c: {  	_ =	shalt  }
0x7d: {  	_ =	shalt  }
0x7e: {  	_ =	shalt  }
0x7f: {  	_ =	shalt  }
0x80: {  	_ =	shalt  }
0x81: {  	_ =	shalt  }
0x82: {  	_ =	shalt  }
0x83: {  	_ =	shalt  }
0x84: {  	_ =	shalt  }
0x85: {  	_ =	shalt  }
0x86: {  	_ =	shalt  }
0x87: {  	_ =	shalt  }
.Lfunc_end0:
.L_simem_size_0:
called_computation_lowered:
.L_overlay_start_0:
0x88: {  	s2 =	sld [smem:$0x3FD9]  }
0x89: {  	s3 =	sld [smem:$0x3FFE];
	_ =	sdelay $0x1  }
0x8a: {  	s1 =	srdreg.scid  }
0x8b: {  	s0 =	sand.u32 $0x1, s1  }
0x8c: {  	s16 =	sshll.u32 s0, $0xA;
	s2 =	sadd.s32 s3, s2  }
0x8d: {  	s2 =	sadd.s32 s2, s16  }
0x8e: {  	[smem:$0x3FB9] =	sst s2  }
0x8f: {  	_ = 	snop  }
0x90: {  	(tm) =	ssettm $0x1  }
0x91: {  	s17 =	sld [smem:$0x3FFB];
	_ =	sdelay $0x3  }
0x92: {  	_ =	strace s17  }
0x93: {  	s2 =	sld [smem:$0x3FFC];
	_ =	sdelay $0x3  }
0x94: {  	_ =	strace s2  }
0x95: {  	s2 =	sld [smem:$0x3FFD];
	_ =	sdelay $0x3  }
0x96: {  	_ =	strace s2  }
0x97: {  	_ =	strace $0x8FFFFFFF  }
0x98: {  	s18 =	sld [smem:$0x3FDB];
	_ =	sdelay $0x1  }
0x99: {  	s19 =	simm.s32 $_scs_section_size  }
0x9a: {  	s4 =	simm.s32 $_size__tile_overlayer_lowered;
	s5 =	simm.s32 $_tile_overlayer_lowered  }
0x9b: {  	s22 =	simm.s32 $0x1BFF;
	s21 =	sshll.u32 s5, $0x1;
	s2 =	sadd.s32 s19, s18  }
0x9c: {  	s6 =	simm.s32 $0x0;
	s20 =	sshll.u32 s4, $0x1;
	s4 =	sadd.s32 s21, s2  }
0x9d: {  	[timem:s6], [sflag:s22] =	dma.local [hbm:s4], s20  }
0x9e: {  	_ =	swait.ge [sflag:s22], s20  }
0x9f: {  	s3 =	ssub.s32 $0x0, s20;
	[sflag:s22] =	ssyncset.done $0x0  }
0xa0: {  	[sflag:s22] =	ssyncadd.s32 s3;
	_ =	sdelay $0x1  }
0xa1: {  	s23 =	simm.s32 $0x1B8B  }
0xa2: {  	_ =	swait.ge [sflag:s23], $0x1  }
0xa3: {  	[sflag:s23] =	ssyncset.done $0x0  }
0xa4: {  	s25 =	simm.s32 $0x1B8E;
	s24 =	sld [smem:$0x3FFE];
	[sflag:s23] =	ssyncadd.s32 $0xFFFFFFFF  }
0xa5: {  	s26 =	simm.s32 $execute0_lowered;
	[smem:$0x3FD2] =	sst s25  }
0xa6: {  	s4 =	sshll.u32 s26, $0x1;
	_ =	strace $0x80000046;
	[dreg:$0x1] =	wrdreg $0xFFFFFFFF  }
0xa7: {  	s28 =	simm.s32 $_size_execute0_lowered;
	s2 =	sadd.s32 s2, s4;
	[dreg:$0x0] =	wrdreg $0x0  }
0xa8: {  	s4 =	sshll.u32 s28, $0x1;
	[dreg:$0x2] =	wrdreg s2  }
0xa9: {  	[dreg:$0x3] =	wrdreg s4  }
0xaa: {  	[dreg:$0x4] =	wrdreg $0xC0  }
0xab: {  	_ =	task [dreg:s6], $0x5FFFF  }
0xac: {  	[dreg:$0x1] =	wrdreg $0xFFFFFFFF  }
0xad: {  	[dreg:$0x0] =	wrdreg $0x60  }
0xae: {  	[dreg:$0x2] =	wrdreg s24  }
0xaf: {  	[dreg:$0x3] =	wrdreg $0x9  }
0xb0: {  	_ =	task.clear_ibuf [dreg:s6], $0x4FFFF;
	_ =	strace $0x90000046  }
0xb1: {  	s29 =	simm.s32 $0x9;
	_ =	strace $0x80000048  }
0xb2: {  	_ =	swait.ge [sflag:s29], $0x1  }
0xb3: {  	[sflag:s29] =	ssyncadd.s32 $0xFFFFFFFF  }
0xb4: {  	_ =	strace $0x90000048  }
0xb5: {  	_ =	sfence  }
0xb6: {  	s30 =	sld [smem:$0x0];
	_ =	sdelay $0x2  }
0xb7: {  	s31 =	sshll.u32 s1, $0xD;
	s1 =	sshrl.u32 s1, $0x2  }
0xb8: {  	s3 =	sand.u32 $0x4000, s31;
	s1 =	sadd.s32 s1, s30  }
0xb9: {  	s0 =	sor.u32 s3, s0;
	s1 =	sshll.u32 s1, $0x11  }
0xba: {  	s0 =	sor.u32 s1, s0  }
0xbb: {  	s0 =	sadd.s32 $0x8F2B, s0  }
0xbc: {  	[sflag:s0] =	ssyncadd.remote.s32 $0x1  }
0xbd: {  	_ =	sfence.sel $0xFFFF  }
0xbe: {  	[dreg:$0x0] =	wrdreg $0xFFFFFFFF;
	(pc) =	sbr.abs _section_cstart, $3  }
0xbf: {  	[dreg:$0x1] =	wrdreg $0xFFFFFFFF  }
0xc0: {  	_ =	task.clear_ibuf [dreg:s6], $0x2FFFF;
	_ =	strace $0x9FFFFFFF  }
0xc1: {  	(tm) =	ssettm $0x7FFFFFFF  }
tec
execute0_lowered:
.L_overlay_start_1:
0x0: {  	(tag) =	ssettag $0x1  }
0x1: {  	s0 =	rddreg [dreg:$0x0]  }
0x2: {  	s2 =	simm.s32 $0x0;
	s1 =	srdreg.scid;
	s3 =	stileid.u32  }
0x3: {  	s19 =	simm.s32 $0x4;
	s16 =	simm.s32 $0x11980;
	s31 =	simm.s32 $0x800  }
0x4: {  	s17 =	simm.s32 $0xE80;
	s28 =	simm.s32 $0xF00;
	s29 =	simm.s32 $0xF80  }
0x5: {  	s30 =	simm.s32 $0x10900;
	s15 =	simm.s32 $0x0;
	[smem:$0x7FF] =	sst s2  }
0x6: {  	s1 =	sand.u32 $0x1, s1;
	s5 =	sshll.u32 s3, $0x1;
	s3 =	sadd.s32 $0x1A3200, s0  }
0x7: {  	s4 =	sadd.s32 $0x3200, s0;
	s10 =	sadd.s32 $0x59000, s0;
	s13 =	sadd.s32 $0x55C00, s0  }
0x8: {  	s6 =	sadd.s32 $0x6600, s0;
	s7 =	sadd.s32 $0x5C400, s0;
	_ =	strace $0x80000047  }
0x9: {  	s9 =	sor.u32 s1, s5;
	s5 =	sadd.s32 $0x1D7200, s0;
	s1 =	ssub.s32 $0x2, s1  }
0xa: {  	s8 =	smul.u32 $0xD00, s9;
	s20 =	sshrl.u32 s1, $0x1;
	s14 =	sshll.u32 s9, $0x4  }
0xb: {  	s1 =	ssub.s32 s1, s20;
	s22 =	sadd.s32 s14, s7;
	s20 =	simm.s32 $0x2  }
0xc: {  	s12 =	sshrl.u32 s8, $0x3;
	s8 =	sshll.u32 s9, $0x7;
	s26 =	smax.u32 s1, $0x1  }
0xd: {  	s1 =	simm.s32 $0x11100;
	s0 =	sadd.s32 s12, s0;
	s11 =	sadd.s32 s10, s12  }
0xe: {  	v16 =	vlaneseq.u32;
	s21 =	sadd.s32 s13, s12;
	s23 =	sadd.s32 $0xD0, s12;
	[dreg:$0x8] =	wrdreg s26  }
0xf: {  	v0 =	vmul.u32 $0x100, v16;
	s12 =	sor.u32 $0xFFFF0000, s8;
	s26 =	simm.s32 $0xF100;
	[dreg:$0x2] =	wrdreg s11  }
0x10: {  	v16 =	vmul.u32 $0x10, v16;
	[dreg:$0x3] =	wrdreg s21;
	s11 =	sshll.u32 s9, $0xB;
	s9 =	sadd.s32 $0x32000, s22  }
0x11: {  	v1 =	vor.u32 $0xF0, v0;
	v2 =	vor.u32 $0xE0, v0;
	v3 =	vor.u32 $0xD0, v0;
	s24 =	sadd.s32 s10, s23;
	s25 =	sadd.s32 s13, s23;
	[dreg:$0x4] =	wrdreg s9  }
0x12: {  	v4 =	vor.u32 $0xC0, v0;
	v5 =	vor.u32 $0xB0, v0;
	v6 =	vor.u32 $0xA0, v0;
	s0 =	sadd.s32 $0x90400, s0;
	s21 =	simm.s32 $0x80;
	[dreg:$0x5] =	wrdreg s24  }
0x13: {  	v7 =	vor.u32 $0x90, v0;
	v8 =	vor.u32 $0x80, v0;
	v9 =	vor.u32 $0x70, v0;
	s22 =	simm.s32 $0x12600;
	s13 =	simm.s32 $0x1000;
	[dreg:$0x6] =	wrdreg s25  }
0x14: {  	v10 =	vor.u32 $0x60, v0;
	v11 =	vor.u32 $0x50, v0;
	v12 =	vor.u32 $0x40, v0;
	s23 =	simm.s32 $0x1100;
	s10 =	simm.s32 $0x10100;
	[dreg:$0x7] =	wrdreg s0  }
0x15: {  	v13 =	vor.u32 $0x30, v0;
	v14 =	vor.u32 $0x20, v0;
	v15 =	vor.u32 $0x10, v0;
	s25 =	simm.s32 $0x11900;
	s9 =	simm.s32 $0xF900;
	s0 =	simm.s32 $0x1  }
.LBB2_1:
0x16: {  	[dreg:$0x9] =	wrdreg s15  }
0x17: {  	s14 =	rddreg [dreg:$0x2]  }
0x18: {  	[tilespmem:s25], [sflag:$0x4] =	stream.linear.gather [hbm4b:s14+s2], $0x680, $0x38;
	[tilespmem:$0x19B00] =	vst v63  }
0x19: {  	_ =	swait.ge [sflag:s19], $0x680  }
0x1a: {  	[sflag:s19] =	ssyncset.done $0x0  }
0x1b: {  	s24 =	simm.s32 $0x11F80;
	s18 =	rddreg [dreg:$0x3];
	[sflag:s19] =	ssyncadd.s32 $0xFFFFF980  }
0x1c: {  	[tilespmem:s24], [sflag:$0x4] =	stream.linear.gather [hbm4b:s18+s2], $0x680, $0x38;
	[tilespmem:$0x19B00] =	vst v63  }
0x1d: {  	_ =	swait.ge [sflag:s19], $0x680  }
0x1e: {  	[sflag:s19] =	ssyncset.done $0x0  }
0x1f: {  	[sflag:s19] =	ssyncadd.s32 $0xFFFFF980  }
0x20: {  	[tilespmem:s22], [sflag:$0x3] =	stream.indirect.gather [hbm4b:s6+s21], $0x10, s25, s21, $0xb8;
	[tilespmem:$0x19B00] =	vst v63  }
0x21: {  	s18 =	simm.s32 $0x12E00  }
0x22: {  	[tilespmem:s18], [sflag:$0x3] =	stream.indirect.gather [hbm4b:s6+s21], $0x10, s16, s21, $0xb8;
	[tilespmem:$0x19B00] =	vst v63  }
0x23: {  	s24 =	simm.s32 $0x11A00;
	s25 =	simm.s32 $0x13600  }
0x24: {  	[tilespmem:s25], [sflag:$0x3] =	stream.indirect.gather [hbm4b:s6+s21], $0x10, s24, s21, $0xb8;
	[tilespmem:$0x19B00] =	vst v63  }
0x25: {  	s16 =	simm.s32 $0x11A80;
	s18 =	simm.s32 $0x13E00  }
0x26: {  	[tilespmem:s18], [sflag:$0x3] =	stream.indirect.gather [hbm4b:s6+s21], $0x10, s16, s21, $0xb8;
	[tilespmem:$0x19B00] =	vst v63  }
0x27: {  	s24 =	simm.s32 $0x11B00;
	s25 =	simm.s32 $0x14600  }
0x28: {  	[tilespmem:s25], [sflag:$0x3] =	stream.indirect.gather [hbm4b:s6+s21], $0x10, s24, s21, $0xb8;
	[tilespmem:$0x19B00] =	vst v63  }
0x29: {  	s16 =	simm.s32 $0x11B80;
	s18 =	simm.s32 $0x14E00  }
0x2a: {  	[tilespmem:s18], [sflag:$0x3] =	stream.indirect.gather [hbm4b:s6+s21], $0x10, s16, s21, $0xb8;
	[tilespmem:$0x19B00] =	vst v63  }
0x2b: {  	s24 =	simm.s32 $0x11C00;
	s25 =	simm.s32 $0x15600  }
0x2c: {  	[tilespmem:s25], [sflag:$0x3] =	stream.indirect.gather [hbm4b:s6+s21], $0x10, s24, s21, $0xb8;
	[tilespmem:$0x19B00] =	vst v63  }
0x2d: {  	s16 =	simm.s32 $0x11C80;
	s18 =	simm.s32 $0x15E00  }
0x2e: {  	[tilespmem:s18], [sflag:$0x3] =	stream.indirect.gather [hbm4b:s6+s21], $0x10, s16, s21, $0xb8;
	[tilespmem:$0x19B00] =	vst v63  }
0x2f: {  	s24 =	simm.s32 $0x11D00;
	s25 =	simm.s32 $0x16600  }
0x30: {  	[tilespmem:s25], [sflag:$0x3] =	stream.indirect.gather [hbm4b:s6+s21], $0x10, s24, s21, $0xb8;
	[tilespmem:$0x19B00] =	vst v63  }
0x31: {  	s16 =	simm.s32 $0x11D80;
	s18 =	simm.s32 $0x16E00  }
0x32: {  	[tilespmem:s18], [sflag:$0x3] =	stream.indirect.gather [hbm4b:s6+s21], $0x10, s16, s21, $0xb8;
	[tilespmem:$0x19B00] =	vst v63  }
0x33: {  	s24 =	simm.s32 $0x11E00;
	s25 =	simm.s32 $0x17600  }
0x34: {  	[tilespmem:s25], [sflag:$0x3] =	stream.indirect.gather [hbm4b:s6+s21], $0x10, s24, s21, $0xb8;
	[tilespmem:$0x19B00] =	vst v63  }
0x35: {  	s16 =	simm.s32 $0x11E80;
	s18 =	simm.s32 $0x17E00  }
0x36: {  	[tilespmem:s18], [sflag:$0x3] =	stream.indirect.gather [hbm4b:s6+s21], $0x10, s16, s21, $0xb8;
	[tilespmem:$0x19B00] =	vst v63  }
0x37: {  	s24 =	simm.s32 $0x11F00;
	s25 =	simm.s32 $0x18600;
	s18 =	simm.s32 $0x0  }
0x38: {  	[tilespmem:s25], [sflag:$0x3] =	stream.indirect.gather [hbm4b:s6+s21], $0x10, s24, s21, $0xb8;
	[tilespmem:$0x19B00] =	vst v63  }
.LBB2_2:
0x39: {  	s14 =	sshll.u32 s18, $0x11  }
0x3a: {  	s15 =	sor.u32 s11, s14  }
0x3b: {  	s15 =	sshrl.u32 s15, $0x3  }
0x3c: {  	s16 =	sshll.u32 s18, $0xD;
	s15 =	sadd.s32 s3, s15  }
0x3d: {  	[tilespmem:s2], [sflag:$0x4] =	stream.linear.gather [hbm4b:s15+s2], $0x800, $0x38;
	[tilespmem:$0x19B00] =	vst v63  }
0x3e: {  	s15 =	sor.u32 s8, s16;
	_ =	swait.ge [sflag:s19], $0x800  }
0x3f: {  	s15 =	sshrl.u32 s15, $0x3;
	[sflag:s19] =	ssyncset.done $0x0  }
0x40: {  	s15 =	sadd.s32 s4, s15;
	[sflag:s19] =	ssyncadd.s32 $0xFFFFF800  }
0x41: {  	[tilespmem:s13], [sflag:$0x4] =	stream.linear.gather [hbm4b:s15+s2], $0x80, $0x38;
	[tilespmem:$0x19B00] =	vst v63  }
0x42: {  	_ =	swait.ge [sflag:s19], $0x80  }
0x43: {  	[sflag:s19] =	ssyncset.done $0x0  }
0x44: {  	[sflag:s19] =	ssyncadd.s32 $0xFFFFFF80  }
0x45: {  	[tilespmem:s23], [sflag:$0x1] =	stream.indirect.gather [hbm4b:s5+s21], $0x10, s2, s21, $0xb8;
	[tilespmem:$0x19B00] =	vst v63  }
0x46: {  	s24 =	simm.s32 $0x1900  }
0x47: {  	[tilespmem:s24], [sflag:$0x1] =	stream.indirect.gather [hbm4b:s5+s21], $0x10, s21, s21, $0xb8;
	[tilespmem:$0x19B00] =	vst v63  }
0x48: {  	s25 =	simm.s32 $0x100;
	s16 =	simm.s32 $0x2100  }
0x49: {  	[tilespmem:s16], [sflag:$0x1] =	stream.indirect.gather [hbm4b:s5+s21], $0x10, s25, s21, $0xb8;
	[tilespmem:$0x19B00] =	vst v63  }
0x4a: {  	s24 =	simm.s32 $0x180;
	s25 =	simm.s32 $0x2900  }
0x4b: {  	[tilespmem:s25], [sflag:$0x1] =	stream.indirect.gather [hbm4b:s5+s21], $0x10, s24, s21, $0xb8;
	[tilespmem:$0x19B00] =	vst v63  }
0x4c: {  	s24 =	simm.s32 $0x200;
	s25 =	simm.s32 $0x3100  }
0x4d: {  	[tilespmem:s25], [sflag:$0x1] =	stream.indirect.gather [hbm4b:s5+s21], $0x10, s24, s21, $0xb8;
	[tilespmem:$0x19B00] =	vst v63  }
0x4e: {  	s24 =	simm.s32 $0x280;
	s25 =	simm.s32 $0x3900  }
0x4f: {  	[tilespmem:s25], [sflag:$0x1] =	stream.indirect.gather [hbm4b:s5+s21], $0x10, s24, s21, $0xb8;
	[tilespmem:$0x19B00] =	vst v63  }
0x50: {  	s24 =	simm.s32 $0x300;
	s25 =	simm.s32 $0x4100  }
0x51: {  	[tilespmem:s25], [sflag:$0x1] =	stream.indirect.gather [hbm4b:s5+s21], $0x10, s24, s21, $0xb8;
	[tilespmem:$0x19B00] =	vst v63  }
0x52: {  	s24 =	simm.s32 $0x380;
	s25 =	simm.s32 $0x4900  }
0x53: {  	[tilespmem:s25], [sflag:$0x1] =	stream.indirect.gather [hbm4b:s5+s21], $0x10, s24, s21, $0xb8;
	[tilespmem:$0x19B00] =	vst v63  }
0x54: {  	s24 =	simm.s32 $0x400;
	s25 =	simm.s32 $0x5100  }
0x55: {  	[tilespmem:s25], [sflag:$0x1] =	stream.indirect.gather [hbm4b:s5+s21], $0x10, s24, s21, $0xb8;
	[tilespmem:$0x19B00] =	vst v63  }
0x56: {  	s24 =	simm.s32 $0x480;
	s25 =	simm.s32 $0x5900  }
0x57: {  	[tilespmem:s25], [sflag:$0x1] =	stream.indirect.gather [hbm4b:s5+s21], $0x10, s24, s21, $0xb8;
	[tilespmem:$0x19B00] =	vst v63  }
0x58: {  	s24 =	simm.s32 $0x500;
	s25 =	simm.s32 $0x6100  }
0x59: {  	[tilespmem:s25], [sflag:$0x1] =	stream.indirect.gather [hbm4b:s5+s21], $0x10, s24, s21, $0xb8;
	[tilespmem:$0x19B00] =	vst v63  }
0x5a: {  	s24 =	simm.s32 $0x580;
	s25 =	simm.s32 $0x6900  }
0x5b: {  	[tilespmem:s25], [sflag:$0x1] =	stream.indirect.gather [hbm4b:s5+s21], $0x10, s24, s21, $0xb8;
	[tilespmem:$0x19B00] =	vst v63  }
0x5c: {  	s24 =	simm.s32 $0x600;
	s25 =	simm.s32 $0x7100  }
0x5d: {  	[tilespmem:s25], [sflag:$0x1] =	stream.indirect.gather [hbm4b:s5+s21], $0x10, s24, s21, $0xb8;
	[tilespmem:$0x19B00] =	vst v63  }
0x5e: {  	p0 =	seq.s32 s18, $0x0;
	s24 =	simm.s32 $0x680;
	s25 =	simm.s32 $0x7900  }
0x5f: {  	[tilespmem:s25], [sflag:$0x1] =	stream.indirect.gather [hbm4b:s5+s21], $0x10, s24, s21, $0xb8;
	[tilespmem:$0x19B00] =	vst v63  }
.Ltmp0:
0x60: {  	_ = 	snop;
	(pc) =	sbr.rel @p0 .LBB2_6-.Ltmp0, $4  }
0x61: {  	s24 =	simm.s32 $0x700;
	s25 =	simm.s32 $0x8100  }
0x62: {  	[tilespmem:s25], [sflag:$0x1] =	stream.indirect.gather [hbm4b:s5+s21], $0x10, s24, s21, $0xb8;
	[tilespmem:$0x19B00] =	vst v63  }
0x63: {  	s24 =	simm.s32 $0x780;
	s25 =	simm.s32 $0x8900  }
0x64: {  	[tilespmem:s25], [sflag:$0x1] =	stream.indirect.gather [hbm4b:s5+s21], $0x10, s24, s21, $0xb8;
	[tilespmem:$0x19B00] =	vst v63  }
0x65: {  	_ =	swait.ge [sflag:s20], $0x8000  }
0x66: {  	[sflag:s20] =	ssyncset.done $0x0  }
0x67: {  	s24 =	simm.s32 $0x1080;
	[sflag:s20] =	ssyncadd.s32 $0xFFFF8000  }
0x68: {  	v17 =	vld [tilespmem:s24+$0x0];
	_ =	sdelay $0x1  }
0x69: {  	s15 =	simm.s32 $0x800  }
0x6a: {  	v18 =	vmov s15  }
0x6b: {  	v18 =	vshll.u32 v18, $0x4  }
0x6c: {  	v20 =	vor.u32 v0, v18;
	v19 =	vand.u32 $0xFFFFFFF8, v17  }
0x6d: {  	v17 =	vand.u32 $0x7, v17;
	v20 =	vadd.s32 v20, v19  }
0x6e: {  	v20 =	vor.u32 v17, v20;
	_ =	sdelay $0x3  }
0x6f: {  	v21 =	vor.u32 v15, v18  }
0x70: {  	v21 =	vadd.s32 v21, v19;
	v20 =	vld.idx.msk [tilespmem:v20+s23+$0x0], $0xffff  }
0x71: {  	v21 =	vor.u32 v17, v21;
	_ =	sdelay $0x2  }
0x72: {  	s15 =	simm.s32 $0x11500  }
0x73: {  	v22 =	vor.u32 v14, v18;
	[tilespmem:s15+$0xFFFFFC00] =	vst v20  }
0x74: {  	v39 =	vadd.s32 v22, v19;
	v21 =	vld.idx.msk [tilespmem:v21+s23+$0x0], $0xffff  }
0x75: {  	v20 =	vor.u32 v17, v39;
	_ =	sdelay $0x3  }
0x76: {  	v40 =	vor.u32 v13, v18;
	[tilespmem:s15+$0xFFFFFC80] =	vst v21  }
0x77: {  	v41 =	vadd.s32 v40, v19;
	v20 =	vld.idx.msk [tilespmem:v20+s23+$0x0], $0xffff  }
0x78: {  	v21 =	vor.u32 v17, v41;
	_ =	sdelay $0x3  }
0x79: {  	v42 =	vor.u32 v12, v18;
	[tilespmem:s15+$0xFFFFFD00] =	vst v20  }
0x7a: {  	v43 =	vadd.s32 v42, v19;
	v21 =	vld.idx.msk [tilespmem:v21+s23+$0x0], $0xffff  }
0x7b: {  	v20 =	vor.u32 v17, v43;
	_ =	sdelay $0x3  }
0x7c: {  	v44 =	vor.u32 v11, v18;
	[tilespmem:s15+$0xFFFFFD80] =	vst v21  }
0x7d: {  	v45 =	vadd.s32 v44, v19;
	v20 =	vld.idx.msk [tilespmem:v20+s23+$0x0], $0xffff  }
0x7e: {  	v21 =	vor.u32 v17, v45;
	_ =	sdelay $0x3  }
0x7f: {  	v46 =	vor.u32 v10, v18;
	[tilespmem:s15+$0xFFFFFE00] =	vst v20  }
0x80: {  	v47 =	vadd.s32 v46, v19;
	v21 =	vld.idx.msk [tilespmem:v21+s23+$0x0], $0xffff  }
0x81: {  	v20 =	vor.u32 v17, v47;
	_ =	sdelay $0x3  }
0x82: {  	v48 =	vor.u32 v9, v18;
	[tilespmem:s15+$0xFFFFFE80] =	vst v21  }
0x83: {  	v49 =	vadd.s32 v48, v19;
	v20 =	vld.idx.msk [tilespmem:v20+s23+$0x0], $0xffff  }
0x84: {  	v21 =	vor.u32 v17, v49;
	_ =	sdelay $0x3  }
0x85: {  	v50 =	vor.u32 v8, v18;
	[tilespmem:s15+$0xFFFFFF00] =	vst v20  }
0x86: {  	v51 =	vadd.s32 v50, v19;
	v21 =	vld.idx.msk [tilespmem:v21+s23+$0x0], $0xffff  }
0x87: {  	v20 =	vor.u32 v17, v51;
	_ =	sdelay $0x3  }
0x88: {  	v52 =	vor.u32 v7, v18;
	[tilespmem:s15+$0xFFFFFF80] =	vst v21  }
0x89: {  	v53 =	vadd.s32 v52, v19;
	v20 =	vld.idx.msk [tilespmem:v20+s23+$0x0], $0xffff  }
0x8a: {  	v21 =	vor.u32 v17, v53;
	_ =	sdelay $0x3  }
0x8b: {  	v54 =	vor.u32 v6, v18;
	[tilespmem:s15+$0x0] =	vst v20  }
0x8c: {  	v55 =	vadd.s32 v54, v19;
	v21 =	vld.idx.msk [tilespmem:v21+s23+$0x0], $0xffff  }
0x8d: {  	v20 =	vor.u32 v17, v55;
	_ =	sdelay $0x3  }
0x8e: {  	v56 =	vor.u32 v5, v18;
	[tilespmem:s15+$0x80] =	vst v21  }
0x8f: {  	v57 =	vadd.s32 v56, v19;
	v20 =	vld.idx.msk [tilespmem:v20+s23+$0x0], $0xffff  }
0x90: {  	v21 =	vor.u32 v17, v57;
	_ =	sdelay $0x3  }
0x91: {  	v58 =	vor.u32 v4, v18;
	[tilespmem:s15+$0x100] =	vst v20  }
0x92: {  	v59 =	vadd.s32 v58, v19;
	v21 =	vld.idx.msk [tilespmem:v21+s23+$0x0], $0xffff  }
0x93: {  	v20 =	vor.u32 v17, v59;
	_ =	sdelay $0x3  }
0x94: {  	v60 =	vor.u32 v3, v18;
	[tilespmem:s15+$0x180] =	vst v21  }
0x95: {  	v61 =	vadd.s32 v60, v19;
	v20 =	vld.idx.msk [tilespmem:v20+s23+$0x0], $0xffff  }
0x96: {  	v21 =	vor.u32 v17, v61;
	_ =	sdelay $0x3  }
0x97: {  	v62 =	vor.u32 v2, v18;
	[tilespmem:s15+$0x200] =	vst v20  }
0x98: {  	v63 =	vadd.s32 v62, v19;
	v21 =	vld.idx.msk [tilespmem:v21+s23+$0x0], $0xffff  }
0x99: {  	v20 =	vor.u32 v17, v63;
	_ =	sdelay $0x3  }
0x9a: {  	v18 =	vor.u32 v1, v18;
	[tilespmem:s15+$0x280] =	vst v21  }
0x9b: {  	v18 =	vadd.s32 v18, v19;
	v19 =	vld.idx.msk [tilespmem:v20+s23+$0x0], $0xffff  }
0x9c: {  	v17 =	vor.u32 v17, v18;
	_ =	sdelay $0x3  }
0x9d: {  	[tilespmem:s15+$0x300] =	vst v19  }
0x9e: {  	s25 =	simm.s32 $0x900;
	v17 =	vld.idx.msk [tilespmem:v17+s23+$0x0], $0xffff  }
.LBB2_4:
0x9f: {  	_ =	sdelay $0x3  }
0xa0: {  	p0 =	sne.s32 s25, $0xF00;
	s24 =	sadd.s32 $0x10, s24;
	[tilespmem:s15+$0x380] =	vst v17;
	s15 =	sadd.s32 $0x10, s15  }
0xa1: {  	s16 =	smov.u32 s25;
	s25 =	sadd.s32 $0x100, s25;
	v17 =	vld [tilespmem:s24+$0x0];
	_ =	sdelay $0x2  }
0xa2: {  	v18 =	vmov s16  }
0xa3: {  	v18 =	vshll.u32 v18, $0x4  }
0xa4: {  	v20 =	vor.u32 v0, v18;
	v21 =	vor.u32 v15, v18;
	v19 =	vand.u32 $0xFFFFFFF8, v17  }
0xa5: {  	v17 =	vand.u32 $0x7, v17;
	v20 =	vadd.s32 v20, v19;
	v21 =	vadd.s32 v21, v19  }
0xa6: {  	v22 =	vor.u32 v14, v18;
	v20 =	vor.u32 v17, v20;
	v21 =	vor.u32 v17, v21  }
0xa7: {  	v23 =	vor.u32 v13, v18;
	v24 =	vor.u32 v12, v18;
	v22 =	vadd.s32 v22, v19  }
0xa8: {  	v23 =	vadd.s32 v23, v19;
	v24 =	vadd.s32 v24, v19;
	v22 =	vor.u32 v17, v22  }
0xa9: {  	v25 =	vor.u32 v11, v18;
	v23 =	vor.u32 v17, v23;
	v24 =	vor.u32 v17, v24  }
0xaa: {  	v26 =	vor.u32 v10, v18;
	v27 =	vor.u32 v9, v18;
	v25 =	vadd.s32 v25, v19  }
0xab: {  	v26 =	vadd.s32 v26, v19;
	v27 =	vadd.s32 v27, v19;
	v25 =	vor.u32 v17, v25;
	v20 =	vld.idx.msk [tilespmem:v20+s23+$0x0], $0xffff  }
0xac: {  	v28 =	vor.u32 v8, v18;
	v26 =	vor.u32 v17, v26;
	v27 =	vor.u32 v17, v27  }
0xad: {  	v29 =	vor.u32 v7, v18;
	v30 =	vor.u32 v6, v18;
	v28 =	vadd.s32 v28, v19  }
0xae: {  	v29 =	vadd.s32 v29, v19;
	v30 =	vadd.s32 v30, v19;
	v28 =	vor.u32 v17, v28  }
0xaf: {  	v31 =	vor.u32 v5, v18;
	v29 =	vor.u32 v17, v29;
	v30 =	vor.u32 v17, v30  }
0xb0: {  	v32 =	vor.u32 v4, v18;
	v33 =	vor.u32 v3, v18;
	v31 =	vadd.s32 v31, v19  }
0xb1: {  	[tilespmem:s15+$0xFFFFFC00] =	vst v20;
	v20 =	vor.u32 v17, v31;
	v31 =	vadd.s32 v32, v19;
	v32 =	vadd.s32 v33, v19  }
0xb2: {  	v33 =	vor.u32 v2, v18;
	v21 =	vld.idx.msk [tilespmem:v21+s23+$0x0], $0xffff;
	v31 =	vor.u32 v17, v31;
	v32 =	vor.u32 v17, v32  }
0xb3: {  	v18 =	vor.u32 v1, v18;
	v33 =	vadd.s32 v33, v19  }
0xb4: {  	v18 =	vadd.s32 v18, v19;
	v33 =	vor.u32 v17, v33  }
0xb5: {  	v17 =	vor.u32 v17, v18;
	_ =	sdelay $0x2  }
0xb6: {  	[tilespmem:s15+$0xFFFFFC80] =	vst v21  }
0xb7: {  	v18 =	vld.idx.msk [tilespmem:v22+s23+$0x0], $0xffff;
	_ =	sdelay $0x5  }
0xb8: {  	[tilespmem:s15+$0xFFFFFD00] =	vst v18  }
0xb9: {  	v18 =	vld.idx.msk [tilespmem:v23+s23+$0x0], $0xffff;
	_ =	sdelay $0x5  }
0xba: {  	[tilespmem:s15+$0xFFFFFD80] =	vst v18  }
0xbb: {  	v18 =	vld.idx.msk [tilespmem:v24+s23+$0x0], $0xffff;
	_ =	sdelay $0x5  }
0xbc: {  	[tilespmem:s15+$0xFFFFFE00] =	vst v18  }
0xbd: {  	v18 =	vld.idx.msk [tilespmem:v25+s23+$0x0], $0xffff;
	_ =	sdelay $0x5  }
0xbe: {  	[tilespmem:s15+$0xFFFFFE80] =	vst v18  }
0xbf: {  	v18 =	vld.idx.msk [tilespmem:v26+s23+$0x0], $0xffff;
	_ =	sdelay $0x5  }
0xc0: {  	[tilespmem:s15+$0xFFFFFF00] =	vst v18  }
0xc1: {  	v18 =	vld.idx.msk [tilespmem:v27+s23+$0x0], $0xffff;
	_ =	sdelay $0x5  }
0xc2: {  	[tilespmem:s15+$0xFFFFFF80] =	vst v18  }
0xc3: {  	v18 =	vld.idx.msk [tilespmem:v28+s23+$0x0], $0xffff;
	_ =	sdelay $0x5  }
0xc4: {  	[tilespmem:s15+$0x0] =	vst v18  }
0xc5: {  	v18 =	vld.idx.msk [tilespmem:v29+s23+$0x0], $0xffff;
	_ =	sdelay $0x5  }
0xc6: {  	[tilespmem:s15+$0x80] =	vst v18  }
0xc7: {  	v18 =	vld.idx.msk [tilespmem:v30+s23+$0x0], $0xffff;
	_ =	sdelay $0x5  }
0xc8: {  	[tilespmem:s15+$0x100] =	vst v18  }
0xc9: {  	v18 =	vld.idx.msk [tilespmem:v20+s23+$0x0], $0xffff;
	_ =	sdelay $0x5  }
0xca: {  	[tilespmem:s15+$0x180] =	vst v18  }
0xcb: {  	v18 =	vld.idx.msk [tilespmem:v31+s23+$0x0], $0xffff;
	_ =	sdelay $0x5  }
0xcc: {  	[tilespmem:s15+$0x200] =	vst v18  }
0xcd: {  	v18 =	vld.idx.msk [tilespmem:v32+s23+$0x0], $0xffff;
	_ =	sdelay $0x5  }
0xce: {  	[tilespmem:s15+$0x280] =	vst v18  }
0xcf: {  	v18 =	vld.idx.msk [tilespmem:v33+s23+$0x0], $0xffff;
	_ =	sdelay $0x2  }
.Ltmp1:
0xd0: {  	(pc) =	sbr.rel @p0 .LBB2_4-.Ltmp1, $3  }
0xd1: {  	_ =	sdelay $0x1  }
0xd2: {  	[tilespmem:s15+$0x300] =	vst v18  }
0xd3: {  	v17 =	vld.idx.msk [tilespmem:v17+s23+$0x0], $0xffff  }
0xd4: {  	_ =	sdelay $0x1  }
0xd5: {  	s16 =	sadd.s32 s12, s14  }
0xd6: {  	s16 =	sshrl.u32 s16, $0x3  }
0xd7: {  	s25 =	sadd.s32 s7, s16;
	[tilespmem:s15+$0x380] =	vst v17  }
0xd8: {  	[hbm4b:s25+s21] =	stream.strided.scatter [tilespmem:s1], [sflag:$0x4], $0x800, s13, s21, $0x38;
	[tilespmem:$0x19B00] =	vst v63  }
0xd9: {  	_ =	swait.ge [sflag:s19], $0x800  }
0xda: {  	[sflag:s19] =	ssyncset.done $0x0  }
0xdb: {  	[sflag:s19] =	ssyncadd.s32 $0xFFFFF800  }
.LBB2_6:
0xdc: {  	s15 =	sshll.u32 s18, $0x1  }
0xdd: {  	s15 =	sor.u32 $0x1, s15  }
0xde: {  	s16 =	sshll.u32 s15, $0x10  }
0xdf: {  	s16 =	sor.u32 s11, s16  }
0xe0: {  	s16 =	sshrl.u32 s16, $0x3  }
0xe1: {  	s25 =	simm.s32 $0x0;
	s15 =	sshll.u32 s15, $0xC;
	s16 =	sadd.s32 s3, s16  }
0xe2: {  	[tilespmem:s31], [sflag:$0x4] =	stream.linear.gather [hbm4b:s16+s25], $0x800, $0x38;
	[tilespmem:$0x19B00] =	vst v63  }
0xe3: {  	s15 =	sor.u32 s8, s15;
	_ =	swait.ge [sflag:s19], $0x800  }
0xe4: {  	s15 =	sshrl.u32 s15, $0x3;
	[sflag:s19] =	ssyncset.done $0x0  }
0xe5: {  	s24 =	simm.s32 $0x1080;
	s15 =	sadd.s32 s4, s15;
	[sflag:s19] =	ssyncadd.s32 $0xFFFFF800  }
0xe6: {  	[tilespmem:s24], [sflag:$0x4] =	stream.linear.gather [hbm4b:s15+s25], $0x80, $0x38;
	[tilespmem:$0x19B00] =	vst v63  }
0xe7: {  	_ =	swait.ge [sflag:s19], $0x80  }
0xe8: {  	[sflag:s19] =	ssyncset.done $0x0  }
0xe9: {  	s24 =	simm.s32 $0x9100;
	[sflag:s19] =	ssyncadd.s32 $0xFFFFFF80  }
0xea: {  	[tilespmem:s24], [sflag:$0x2] =	stream.indirect.gather [hbm4b:s5+s21], $0x10, s31, s21, $0xb8;
	[tilespmem:$0x19B00] =	vst v63  }
0xeb: {  	s16 =	simm.s32 $0x880;
	s24 =	simm.s32 $0x9900  }
0xec: {  	[tilespmem:s24], [sflag:$0x2] =	stream.indirect.gather [hbm4b:s5+s21], $0x10, s16, s21, $0xb8;
	[tilespmem:$0x19B00] =	vst v63  }
0xed: {  	s16 =	simm.s32 $0x900;
	s24 =	simm.s32 $0xA100  }
0xee: {  	[tilespmem:s24], [sflag:$0x2] =	stream.indirect.gather [hbm4b:s5+s21], $0x10, s16, s21, $0xb8;
	[tilespmem:$0x19B00] =	vst v63  }
0xef: {  	s16 =	simm.s32 $0x980;
	s24 =	simm.s32 $0xA900  }
0xf0: {  	[tilespmem:s24], [sflag:$0x2] =	stream.indirect.gather [hbm4b:s5+s21], $0x10, s16, s21, $0xb8;
	[tilespmem:$0x19B00] =	vst v63  }
0xf1: {  	s16 =	simm.s32 $0xA00;
	s24 =	simm.s32 $0xB100  }
0xf2: {  	[tilespmem:s24], [sflag:$0x2] =	stream.indirect.gather [hbm4b:s5+s21], $0x10, s16, s21, $0xb8;
	[tilespmem:$0x19B00] =	vst v63  }
0xf3: {  	s16 =	simm.s32 $0xA80;
	s24 =	simm.s32 $0xB900  }
0xf4: {  	[tilespmem:s24], [sflag:$0x2] =	stream.indirect.gather [hbm4b:s5+s21], $0x10, s16, s21, $0xb8;
	[tilespmem:$0x19B00] =	vst v63  }
0xf5: {  	s16 =	simm.s32 $0xB00;
	s24 =	simm.s32 $0xC100  }
0xf6: {  	[tilespmem:s24], [sflag:$0x2] =	stream.indirect.gather [hbm4b:s5+s21], $0x10, s16, s21, $0xb8;
	[tilespmem:$0x19B00] =	vst v63  }
0xf7: {  	s16 =	simm.s32 $0xB80;
	s24 =	simm.s32 $0xC900  }
0xf8: {  	[tilespmem:s24], [sflag:$0x2] =	stream.indirect.gather [hbm4b:s5+s21], $0x10, s16, s21, $0xb8;
	[tilespmem:$0x19B00] =	vst v63  }
0xf9: {  	s16 =	simm.s32 $0xC00;
	s24 =	simm.s32 $0xD100  }
0xfa: {  	[tilespmem:s24], [sflag:$0x2] =	stream.indirect.gather [hbm4b:s5+s21], $0x10, s16, s21, $0xb8;
	[tilespmem:$0x19B00] =	vst v63  }
0xfb: {  	s16 =	simm.s32 $0xC80;
	s24 =	simm.s32 $0xD900  }
0xfc: {  	[tilespmem:s24], [sflag:$0x2] =	stream.indirect.gather [hbm4b:s5+s21], $0x10, s16, s21, $0xb8;
	[tilespmem:$0x19B00] =	vst v63  }
0xfd: {  	s16 =	simm.s32 $0xD00;
	s24 =	simm.s32 $0xE100  }
0xfe: {  	[tilespmem:s24], [sflag:$0x2] =	stream.indirect.gather [hbm4b:s5+s21], $0x10, s16, s21, $0xb8;
	[tilespmem:$0x19B00] =	vst v63  }
0xff: {  	s16 =	simm.s32 $0xD80;
	s24 =	simm.s32 $0xE900  }
0x100: {  	[tilespmem:s24], [sflag:$0x2] =	stream.indirect.gather [hbm4b:s5+s21], $0x10, s16, s21, $0xb8;
	[tilespmem:$0x19B00] =	vst v63  }
0x101: {  	s24 =	simm.s32 $0xE00  }
0x102: {  	[tilespmem:s26], [sflag:$0x2] =	stream.indirect.gather [hbm4b:s5+s21], $0x10, s24, s21, $0xb8;
	[tilespmem:$0x19B00] =	vst v63  }
0x103: {  	_ = 	snop  }
0x104: {  	[tilespmem:s9], [sflag:$0x2] =	stream.indirect.gather [hbm4b:s5+s21], $0x10, s17, s21, $0xb8;
	[tilespmem:$0x19B00] =	vst v63  }
0x105: {  	_ = 	snop  }
0x106: {  	[tilespmem:s10], [sflag:$0x2] =	stream.indirect.gather [hbm4b:s5+s21], $0x10, s28, s21, $0xb8;
	[tilespmem:$0x19B00] =	vst v63  }
0x107: {  	_ = 	snop  }
0x108: {  	[tilespmem:s30], [sflag:$0x2] =	stream.indirect.gather [hbm4b:s5+s21], $0x10, s29, s21, $0xb8;
	[tilespmem:$0x19B00] =	vst v63  }
0x109: {  	_ =	swait.ge [sflag:s0], $0x8000  }
0x10a: {  	[sflag:s0] =	ssyncset.done $0x0  }
0x10b: {  	s24 =	simm.s32 $0x1000;
	[sflag:s0] =	ssyncadd.s32 $0xFFFF8000  }
0x10c: {  	v17 =	vld [tilespmem:s24+$0x0];
	_ =	sdelay $0x2  }
0x10d: {  	v18 =	vmov s25  }
0x10e: {  	v18 =	vshll.u32 v18, $0x4  }
0x10f: {  	v20 =	vor.u32 v0, v18;
	v19 =	vand.u32 $0xFFFFFFF8, v17  }
0x110: {  	v17 =	vand.u32 $0x7, v17;
	v20 =	vadd.s32 v20, v19  }
0x111: {  	v20 =	vor.u32 v17, v20;
	_ =	sdelay $0x3  }
0x112: {  	v21 =	vor.u32 v15, v18  }
0x113: {  	v21 =	vadd.s32 v21, v19;
	v20 =	vld.idx.msk [tilespmem:v20+s23+$0x0], $0xffff  }
0x114: {  	v21 =	vor.u32 v17, v21;
	_ =	sdelay $0x2  }
0x115: {  	s15 =	simm.s32 $0x11500  }
0x116: {  	v22 =	vor.u32 v14, v18;
	[tilespmem:s15+$0xFFFFFC00] =	vst v20  }
0x117: {  	v39 =	vadd.s32 v22, v19;
	v21 =	vld.idx.msk [tilespmem:v21+s23+$0x0], $0xffff  }
0x118: {  	v20 =	vor.u32 v17, v39;
	_ =	sdelay $0x3  }
0x119: {  	v40 =	vor.u32 v13, v18;
	[tilespmem:s15+$0xFFFFFC80] =	vst v21  }
0x11a: {  	v41 =	vadd.s32 v40, v19;
	v20 =	vld.idx.msk [tilespmem:v20+s23+$0x0], $0xffff  }
0x11b: {  	v21 =	vor.u32 v17, v41;
	_ =	sdelay $0x3  }
0x11c: {  	v42 =	vor.u32 v12, v18;
	[tilespmem:s15+$0xFFFFFD00] =	vst v20  }
0x11d: {  	v43 =	vadd.s32 v42, v19;
	v21 =	vld.idx.msk [tilespmem:v21+s23+$0x0], $0xffff  }
0x11e: {  	v20 =	vor.u32 v17, v43;
	_ =	sdelay $0x3  }
0x11f: {  	v44 =	vor.u32 v11, v18;
	[tilespmem:s15+$0xFFFFFD80] =	vst v21  }
0x120: {  	v45 =	vadd.s32 v44, v19;
	v20 =	vld.idx.msk [tilespmem:v20+s23+$0x0], $0xffff  }
0x121: {  	v21 =	vor.u32 v17, v45;
	_ =	sdelay $0x3  }
0x122: {  	v46 =	vor.u32 v10, v18;
	[tilespmem:s15+$0xFFFFFE00] =	vst v20  }
0x123: {  	v47 =	vadd.s32 v46, v19;
	v21 =	vld.idx.msk [tilespmem:v21+s23+$0x0], $0xffff  }
0x124: {  	v20 =	vor.u32 v17, v47;
	_ =	sdelay $0x3  }
0x125: {  	v48 =	vor.u32 v9, v18;
	[tilespmem:s15+$0xFFFFFE80] =	vst v21  }
0x126: {  	v49 =	vadd.s32 v48, v19;
	v20 =	vld.idx.msk [tilespmem:v20+s23+$0x0], $0xffff  }
0x127: {  	v21 =	vor.u32 v17, v49;
	_ =	sdelay $0x3  }
0x128: {  	v50 =	vor.u32 v8, v18;
	[tilespmem:s15+$0xFFFFFF00] =	vst v20  }
0x129: {  	v51 =	vadd.s32 v50, v19;
	v21 =	vld.idx.msk [tilespmem:v21+s23+$0x0], $0xffff  }
0x12a: {  	v20 =	vor.u32 v17, v51;
	_ =	sdelay $0x3  }
0x12b: {  	v52 =	vor.u32 v7, v18;
	[tilespmem:s15+$0xFFFFFF80] =	vst v21  }
0x12c: {  	v53 =	vadd.s32 v52, v19;
	v20 =	vld.idx.msk [tilespmem:v20+s23+$0x0], $0xffff  }
0x12d: {  	v21 =	vor.u32 v17, v53;
	_ =	sdelay $0x3  }
0x12e: {  	v54 =	vor.u32 v6, v18;
	[tilespmem:s15+$0x0] =	vst v20  }
0x12f: {  	v55 =	vadd.s32 v54, v19;
	v21 =	vld.idx.msk [tilespmem:v21+s23+$0x0], $0xffff  }
0x130: {  	v20 =	vor.u32 v17, v55;
	_ =	sdelay $0x3  }
0x131: {  	v56 =	vor.u32 v5, v18;
	[tilespmem:s15+$0x80] =	vst v21  }
0x132: {  	v57 =	vadd.s32 v56, v19;
	v20 =	vld.idx.msk [tilespmem:v20+s23+$0x0], $0xffff  }
0x133: {  	v21 =	vor.u32 v17, v57;
	_ =	sdelay $0x3  }
0x134: {  	v58 =	vor.u32 v4, v18;
	[tilespmem:s15+$0x100] =	vst v20  }
0x135: {  	v59 =	vadd.s32 v58, v19;
	v21 =	vld.idx.msk [tilespmem:v21+s23+$0x0], $0xffff  }
0x136: {  	v20 =	vor.u32 v17, v59;
	_ =	sdelay $0x3  }
0x137: {  	v60 =	vor.u32 v3, v18;
	[tilespmem:s15+$0x180] =	vst v21  }
0x138: {  	v61 =	vadd.s32 v60, v19;
	v20 =	vld.idx.msk [tilespmem:v20+s23+$0x0], $0xffff  }
0x139: {  	v21 =	vor.u32 v17, v61;
	_ =	sdelay $0x3  }
0x13a: {  	v62 =	vor.u32 v2, v18;
	[tilespmem:s15+$0x200] =	vst v20  }
0x13b: {  	v63 =	vadd.s32 v62, v19;
	v21 =	vld.idx.msk [tilespmem:v21+s23+$0x0], $0xffff  }
0x13c: {  	v20 =	vor.u32 v17, v63;
	_ =	sdelay $0x3  }
0x13d: {  	v18 =	vor.u32 v1, v18;
	[tilespmem:s15+$0x280] =	vst v21  }
0x13e: {  	v18 =	vadd.s32 v18, v19;
	v19 =	vld.idx.msk [tilespmem:v20+s23+$0x0], $0xffff  }
0x13f: {  	v17 =	vor.u32 v17, v18;
	_ =	sdelay $0x3  }
0x140: {  	[tilespmem:s15+$0x300] =	vst v19  }
0x141: {  	s25 =	simm.s32 $0x100;
	v17 =	vld.idx.msk [tilespmem:v17+s23+$0x0], $0xffff  }
.LBB2_7:
0x142: {  	_ =	sdelay $0x3  }
0x143: {  	p0 =	sne.s32 s25, $0x700;
	s24 =	sadd.s32 $0x10, s24;
	[tilespmem:s15+$0x380] =	vst v17;
	s15 =	sadd.s32 $0x10, s15  }
0x144: {  	s16 =	smov.u32 s25;
	s25 =	sadd.s32 $0x100, s25;
	v17 =	vld [tilespmem:s24+$0x0];
	_ =	sdelay $0x2  }
0x145: {  	v18 =	vmov s16  }
0x146: {  	v18 =	vshll.u32 v18, $0x4  }
0x147: {  	v20 =	vor.u32 v0, v18;
	v21 =	vor.u32 v15, v18;
	v19 =	vand.u32 $0xFFFFFFF8, v17  }
0x148: {  	v17 =	vand.u32 $0x7, v17;
	v20 =	vadd.s32 v20, v19;
	v21 =	vadd.s32 v21, v19  }
0x149: {  	v22 =	vor.u32 v14, v18;
	v20 =	vor.u32 v17, v20;
	v21 =	vor.u32 v17, v21  }
0x14a: {  	v23 =	vor.u32 v13, v18;
	v24 =	vor.u32 v12, v18;
	v22 =	vadd.s32 v22, v19  }
0x14b: {  	v23 =	vadd.s32 v23, v19;
	v24 =	vadd.s32 v24, v19;
	v22 =	vor.u32 v17, v22  }
0x14c: {  	v25 =	vor.u32 v11, v18;
	v23 =	vor.u32 v17, v23;
	v24 =	vor.u32 v17, v24  }
0x14d: {  	v26 =	vor.u32 v10, v18;
	v27 =	vor.u32 v9, v18;
	v25 =	vadd.s32 v25, v19  }
0x14e: {  	v26 =	vadd.s32 v26, v19;
	v27 =	vadd.s32 v27, v19;
	v25 =	vor.u32 v17, v25;
	v20 =	vld.idx.msk [tilespmem:v20+s23+$0x0], $0xffff  }
0x14f: {  	v28 =	vor.u32 v8, v18;
	v26 =	vor.u32 v17, v26;
	v27 =	vor.u32 v17, v27  }
0x150: {  	v29 =	vor.u32 v7, v18;
	v30 =	vor.u32 v6, v18;
	v28 =	vadd.s32 v28, v19  }
0x151: {  	v29 =	vadd.s32 v29, v19;
	v30 =	vadd.s32 v30, v19;
	v28 =	vor.u32 v17, v28  }
0x152: {  	v31 =	vor.u32 v5, v18;
	v29 =	vor.u32 v17, v29;
	v30 =	vor.u32 v17, v30  }
0x153: {  	v32 =	vor.u32 v4, v18;
	v33 =	vor.u32 v3, v18;
	v31 =	vadd.s32 v31, v19  }
0x154: {  	[tilespmem:s15+$0xFFFFFC00] =	vst v20;
	v20 =	vor.u32 v17, v31;
	v31 =	vadd.s32 v32, v19;
	v32 =	vadd.s32 v33, v19  }
0x155: {  	v33 =	vor.u32 v2, v18;
	v21 =	vld.idx.msk [tilespmem:v21+s23+$0x0], $0xffff;
	v31 =	vor.u32 v17, v31;
	v32 =	vor.u32 v17, v32  }
0x156: {  	v18 =	vor.u32 v1, v18;
	v33 =	vadd.s32 v33, v19  }
0x157: {  	v18 =	vadd.s32 v18, v19;
	v33 =	vor.u32 v17, v33  }
0x158: {  	v17 =	vor.u32 v17, v18;
	_ =	sdelay $0x2  }
0x159: {  	[tilespmem:s15+$0xFFFFFC80] =	vst v21  }
0x15a: {  	v18 =	vld.idx.msk [tilespmem:v22+s23+$0x0], $0xffff;
	_ =	sdelay $0x5  }
0x15b: {  	[tilespmem:s15+$0xFFFFFD00] =	vst v18  }
0x15c: {  	v18 =	vld.idx.msk [tilespmem:v23+s23+$0x0], $0xffff;
	_ =	sdelay $0x5  }
0x15d: {  	[tilespmem:s15+$0xFFFFFD80] =	vst v18  }
0x15e: {  	v18 =	vld.idx.msk [tilespmem:v24+s23+$0x0], $0xffff;
	_ =	sdelay $0x5  }
0x15f: {  	[tilespmem:s15+$0xFFFFFE00] =	vst v18  }
0x160: {  	v18 =	vld.idx.msk [tilespmem:v25+s23+$0x0], $0xffff;
	_ =	sdelay $0x5  }
0x161: {  	[tilespmem:s15+$0xFFFFFE80] =	vst v18  }
0x162: {  	v18 =	vld.idx.msk [tilespmem:v26+s23+$0x0], $0xffff;
	_ =	sdelay $0x5  }
0x163: {  	[tilespmem:s15+$0xFFFFFF00] =	vst v18  }
0x164: {  	v18 =	vld.idx.msk [tilespmem:v27+s23+$0x0], $0xffff;
	_ =	sdelay $0x5  }
0x165: {  	[tilespmem:s15+$0xFFFFFF80] =	vst v18  }
0x166: {  	v18 =	vld.idx.msk [tilespmem:v28+s23+$0x0], $0xffff;
	_ =	sdelay $0x5  }
0x167: {  	[tilespmem:s15+$0x0] =	vst v18  }
0x168: {  	v18 =	vld.idx.msk [tilespmem:v29+s23+$0x0], $0xffff;
	_ =	sdelay $0x5  }
0x169: {  	[tilespmem:s15+$0x80] =	vst v18  }
0x16a: {  	v18 =	vld.idx.msk [tilespmem:v30+s23+$0x0], $0xffff;
	_ =	sdelay $0x5  }
0x16b: {  	[tilespmem:s15+$0x100] =	vst v18  }
0x16c: {  	v18 =	vld.idx.msk [tilespmem:v20+s23+$0x0], $0xffff;
	_ =	sdelay $0x5  }
0x16d: {  	[tilespmem:s15+$0x180] =	vst v18  }
0x16e: {  	v18 =	vld.idx.msk [tilespmem:v31+s23+$0x0], $0xffff;
	_ =	sdelay $0x5  }
0x16f: {  	[tilespmem:s15+$0x200] =	vst v18  }
0x170: {  	v18 =	vld.idx.msk [tilespmem:v32+s23+$0x0], $0xffff;
	_ =	sdelay $0x5  }
0x171: {  	[tilespmem:s15+$0x280] =	vst v18  }
0x172: {  	v18 =	vld.idx.msk [tilespmem:v33+s23+$0x0], $0xffff;
	_ =	sdelay $0x2  }
.Ltmp2:
0x173: {  	(pc) =	sbr.rel @p0 .LBB2_7-.Ltmp2, $3  }
0x174: {  	_ =	sdelay $0x1  }
0x175: {  	[tilespmem:s15+$0x300] =	vst v18  }
0x176: {  	v17 =	vld.idx.msk [tilespmem:v17+s23+$0x0], $0xffff  }
0x177: {  	_ =	sdelay $0x1  }
0x178: {  	s14 =	sor.u32 s8, s14;
	s18 =	sadd.s32 $0x1, s18  }
0x179: {  	s14 =	sshrl.u32 s14, $0x3;
	p0 =	sne.s32 s18, $0xD  }
.Ltmp3:
0x17a: {  	s14 =	sadd.s32 s7, s14;
	[tilespmem:s15+$0x380] =	vst v17;
	(pc) =	sbr.rel @p0 .LBB2_2-.Ltmp3, $4  }
0x17b: {  	[hbm4b:s14+s21] =	stream.strided.scatter [tilespmem:s1], [sflag:$0x4], $0x800, s13, s21, $0x38;
	[tilespmem:$0x19B00] =	vst v63  }
0x17c: {  	_ =	swait.ge [sflag:s19], $0x800  }
0x17d: {  	[sflag:s19] =	ssyncset.done $0x0  }
0x17e: {  	[sflag:s19] =	ssyncadd.s32 $0xFFFFF800  }
0x17f: {  	_ =	swait.ge [sflag:s20], $0x8000  }
0x180: {  	[sflag:s20] =	ssyncset.done $0x0  }
0x181: {  	s14 =	simm.s32 $0x1080;
	[sflag:s20] =	ssyncadd.s32 $0xFFFF8000  }
0x182: {  	v17 =	vld [tilespmem:s14+$0x0];
	_ =	sdelay $0x1  }
0x183: {  	s15 =	simm.s32 $0x800  }
0x184: {  	v18 =	vmov s15  }
0x185: {  	v18 =	vshll.u32 v18, $0x4  }
0x186: {  	v20 =	vor.u32 v0, v18;
	v19 =	vand.u32 $0xFFFFFFF8, v17  }
0x187: {  	v17 =	vand.u32 $0x7, v17;
	v20 =	vadd.s32 v20, v19  }
0x188: {  	v20 =	vor.u32 v17, v20;
	_ =	sdelay $0x3  }
0x189: {  	v21 =	vor.u32 v15, v18  }
0x18a: {  	v21 =	vadd.s32 v21, v19;
	v20 =	vld.idx.msk [tilespmem:v20+s23+$0x0], $0xffff  }
0x18b: {  	v21 =	vor.u32 v17, v21;
	_ =	sdelay $0x2  }
0x18c: {  	s15 =	simm.s32 $0x11500  }
0x18d: {  	v22 =	vor.u32 v14, v18;
	[tilespmem:s15+$0xFFFFFC00] =	vst v20  }
0x18e: {  	v39 =	vadd.s32 v22, v19;
	v21 =	vld.idx.msk [tilespmem:v21+s23+$0x0], $0xffff  }
0x18f: {  	v20 =	vor.u32 v17, v39;
	_ =	sdelay $0x3  }
0x190: {  	v40 =	vor.u32 v13, v18;
	[tilespmem:s15+$0xFFFFFC80] =	vst v21  }
0x191: {  	v41 =	vadd.s32 v40, v19;
	v20 =	vld.idx.msk [tilespmem:v20+s23+$0x0], $0xffff  }
0x192: {  	v21 =	vor.u32 v17, v41;
	_ =	sdelay $0x3  }
0x193: {  	v42 =	vor.u32 v12, v18;
	[tilespmem:s15+$0xFFFFFD00] =	vst v20  }
0x194: {  	v43 =	vadd.s32 v42, v19;
	v21 =	vld.idx.msk [tilespmem:v21+s23+$0x0], $0xffff  }
0x195: {  	v20 =	vor.u32 v17, v43;
	_ =	sdelay $0x3  }
0x196: {  	v44 =	vor.u32 v11, v18;
	[tilespmem:s15+$0xFFFFFD80] =	vst v21  }
0x197: {  	v45 =	vadd.s32 v44, v19;
	v20 =	vld.idx.msk [tilespmem:v20+s23+$0x0], $0xffff  }
0x198: {  	v21 =	vor.u32 v17, v45;
	_ =	sdelay $0x3  }
0x199: {  	v46 =	vor.u32 v10, v18;
	[tilespmem:s15+$0xFFFFFE00] =	vst v20  }
0x19a: {  	v47 =	vadd.s32 v46, v19;
	v21 =	vld.idx.msk [tilespmem:v21+s23+$0x0], $0xffff  }
0x19b: {  	v20 =	vor.u32 v17, v47;
	_ =	sdelay $0x3  }
0x19c: {  	v48 =	vor.u32 v9, v18;
	[tilespmem:s15+$0xFFFFFE80] =	vst v21  }
0x19d: {  	v49 =	vadd.s32 v48, v19;
	v20 =	vld.idx.msk [tilespmem:v20+s23+$0x0], $0xffff  }
0x19e: {  	v21 =	vor.u32 v17, v49;
	_ =	sdelay $0x3  }
0x19f: {  	v50 =	vor.u32 v8, v18;
	[tilespmem:s15+$0xFFFFFF00] =	vst v20  }
0x1a0: {  	v51 =	vadd.s32 v50, v19;
	v21 =	vld.idx.msk [tilespmem:v21+s23+$0x0], $0xffff  }
0x1a1: {  	v20 =	vor.u32 v17, v51;
	_ =	sdelay $0x3  }
0x1a2: {  	v52 =	vor.u32 v7, v18;
	[tilespmem:s15+$0xFFFFFF80] =	vst v21  }
0x1a3: {  	v53 =	vadd.s32 v52, v19;
	v20 =	vld.idx.msk [tilespmem:v20+s23+$0x0], $0xffff  }
0x1a4: {  	v21 =	vor.u32 v17, v53;
	_ =	sdelay $0x3  }
0x1a5: {  	v54 =	vor.u32 v6, v18;
	[tilespmem:s15+$0x0] =	vst v20  }
0x1a6: {  	v55 =	vadd.s32 v54, v19;
	v21 =	vld.idx.msk [tilespmem:v21+s23+$0x0], $0xffff  }
0x1a7: {  	v20 =	vor.u32 v17, v55;
	_ =	sdelay $0x3  }
0x1a8: {  	v56 =	vor.u32 v5, v18;
	[tilespmem:s15+$0x80] =	vst v21  }
0x1a9: {  	v57 =	vadd.s32 v56, v19;
	v20 =	vld.idx.msk [tilespmem:v20+s23+$0x0], $0xffff  }
0x1aa: {  	v21 =	vor.u32 v17, v57;
	_ =	sdelay $0x3  }
0x1ab: {  	v58 =	vor.u32 v4, v18;
	[tilespmem:s15+$0x100] =	vst v20  }
0x1ac: {  	v59 =	vadd.s32 v58, v19;
	v21 =	vld.idx.msk [tilespmem:v21+s23+$0x0], $0xffff  }
0x1ad: {  	v20 =	vor.u32 v17, v59;
	_ =	sdelay $0x3  }
0x1ae: {  	v60 =	vor.u32 v3, v18;
	[tilespmem:s15+$0x180] =	vst v21  }
0x1af: {  	v61 =	vadd.s32 v60, v19;
	v20 =	vld.idx.msk [tilespmem:v20+s23+$0x0], $0xffff  }
0x1b0: {  	v21 =	vor.u32 v17, v61;
	_ =	sdelay $0x3  }
0x1b1: {  	v62 =	vor.u32 v2, v18;
	[tilespmem:s15+$0x200] =	vst v20  }
0x1b2: {  	v63 =	vadd.s32 v62, v19;
	v21 =	vld.idx.msk [tilespmem:v21+s23+$0x0], $0xffff  }
0x1b3: {  	v20 =	vor.u32 v17, v63;
	_ =	sdelay $0x3  }
0x1b4: {  	v18 =	vor.u32 v1, v18;
	[tilespmem:s15+$0x280] =	vst v21  }
0x1b5: {  	v18 =	vadd.s32 v18, v19;
	v19 =	vld.idx.msk [tilespmem:v20+s23+$0x0], $0xffff  }
0x1b6: {  	v17 =	vor.u32 v17, v18;
	_ =	sdelay $0x3  }
0x1b7: {  	[tilespmem:s15+$0x300] =	vst v19  }
0x1b8: {  	s18 =	simm.s32 $0x900;
	v17 =	vld.idx.msk [tilespmem:v17+s23+$0x0], $0xffff  }
.LBB2_10:
0x1b9: {  	_ =	sdelay $0x3  }
0x1ba: {  	p0 =	sne.s32 s18, $0xF00;
	s14 =	sadd.s32 $0x10, s14;
	[tilespmem:s15+$0x380] =	vst v17;
	s15 =	sadd.s32 $0x10, s15  }
0x1bb: {  	s16 =	smov.u32 s18;
	s18 =	sadd.s32 $0x100, s18;
	v17 =	vld [tilespmem:s14+$0x0];
	_ =	sdelay $0x2  }
0x1bc: {  	v18 =	vmov s16  }
0x1bd: {  	v18 =	vshll.u32 v18, $0x4  }
0x1be: {  	v20 =	vor.u32 v0, v18;
	v21 =	vor.u32 v15, v18;
	v19 =	vand.u32 $0xFFFFFFF8, v17  }
0x1bf: {  	v17 =	vand.u32 $0x7, v17;
	v20 =	vadd.s32 v20, v19;
	v21 =	vadd.s32 v21, v19  }
0x1c0: {  	v22 =	vor.u32 v14, v18;
	v20 =	vor.u32 v17, v20;
	v21 =	vor.u32 v17, v21  }
0x1c1: {  	v23 =	vor.u32 v13, v18;
	v24 =	vor.u32 v12, v18;
	v22 =	vadd.s32 v22, v19  }
0x1c2: {  	v23 =	vadd.s32 v23, v19;
	v24 =	vadd.s32 v24, v19;
	v22 =	vor.u32 v17, v22  }
0x1c3: {  	v25 =	vor.u32 v11, v18;
	v23 =	vor.u32 v17, v23;
	v24 =	vor.u32 v17, v24  }
0x1c4: {  	v26 =	vor.u32 v10, v18;
	v27 =	vor.u32 v9, v18;
	v25 =	vadd.s32 v25, v19  }
0x1c5: {  	v26 =	vadd.s32 v26, v19;
	v27 =	vadd.s32 v27, v19;
	v25 =	vor.u32 v17, v25;
	v20 =	vld.idx.msk [tilespmem:v20+s23+$0x0], $0xffff  }
0x1c6: {  	v28 =	vor.u32 v8, v18;
	v26 =	vor.u32 v17, v26;
	v27 =	vor.u32 v17, v27  }
0x1c7: {  	v29 =	vor.u32 v7, v18;
	v30 =	vor.u32 v6, v18;
	v28 =	vadd.s32 v28, v19  }
0x1c8: {  	v29 =	vadd.s32 v29, v19;
	v30 =	vadd.s32 v30, v19;
	v28 =	vor.u32 v17, v28  }
0x1c9: {  	v31 =	vor.u32 v5, v18;
	v29 =	vor.u32 v17, v29;
	v30 =	vor.u32 v17, v30  }
0x1ca: {  	v32 =	vor.u32 v4, v18;
	v33 =	vor.u32 v3, v18;
	v31 =	vadd.s32 v31, v19  }
0x1cb: {  	[tilespmem:s15+$0xFFFFFC00] =	vst v20;
	v20 =	vor.u32 v17, v31;
	v31 =	vadd.s32 v32, v19;
	v32 =	vadd.s32 v33, v19  }
0x1cc: {  	v33 =	vor.u32 v2, v18;
	v21 =	vld.idx.msk [tilespmem:v21+s23+$0x0], $0xffff;
	v31 =	vor.u32 v17, v31;
	v32 =	vor.u32 v17, v32  }
0x1cd: {  	v18 =	vor.u32 v1, v18;
	v33 =	vadd.s32 v33, v19  }
0x1ce: {  	v18 =	vadd.s32 v18, v19;
	v33 =	vor.u32 v17, v33  }
0x1cf: {  	v17 =	vor.u32 v17, v18;
	_ =	sdelay $0x2  }
0x1d0: {  	[tilespmem:s15+$0xFFFFFC80] =	vst v21  }
0x1d1: {  	v18 =	vld.idx.msk [tilespmem:v22+s23+$0x0], $0xffff;
	_ =	sdelay $0x5  }
0x1d2: {  	[tilespmem:s15+$0xFFFFFD00] =	vst v18  }
0x1d3: {  	v18 =	vld.idx.msk [tilespmem:v23+s23+$0x0], $0xffff;
	_ =	sdelay $0x5  }
0x1d4: {  	[tilespmem:s15+$0xFFFFFD80] =	vst v18  }
0x1d5: {  	v18 =	vld.idx.msk [tilespmem:v24+s23+$0x0], $0xffff;
	_ =	sdelay $0x5  }
0x1d6: {  	[tilespmem:s15+$0xFFFFFE00] =	vst v18  }
0x1d7: {  	v18 =	vld.idx.msk [tilespmem:v25+s23+$0x0], $0xffff;
	_ =	sdelay $0x5  }
0x1d8: {  	[tilespmem:s15+$0xFFFFFE80] =	vst v18  }
0x1d9: {  	v18 =	vld.idx.msk [tilespmem:v26+s23+$0x0], $0xffff;
	_ =	sdelay $0x5  }
0x1da: {  	[tilespmem:s15+$0xFFFFFF00] =	vst v18  }
0x1db: {  	v18 =	vld.idx.msk [tilespmem:v27+s23+$0x0], $0xffff;
	_ =	sdelay $0x5  }
0x1dc: {  	[tilespmem:s15+$0xFFFFFF80] =	vst v18  }
0x1dd: {  	v18 =	vld.idx.msk [tilespmem:v28+s23+$0x0], $0xffff;
	_ =	sdelay $0x5  }
0x1de: {  	[tilespmem:s15+$0x0] =	vst v18  }
0x1df: {  	v18 =	vld.idx.msk [tilespmem:v29+s23+$0x0], $0xffff;
	_ =	sdelay $0x5  }
0x1e0: {  	[tilespmem:s15+$0x80] =	vst v18  }
0x1e1: {  	v18 =	vld.idx.msk [tilespmem:v30+s23+$0x0], $0xffff;
	_ =	sdelay $0x5  }
0x1e2: {  	[tilespmem:s15+$0x100] =	vst v18  }
0x1e3: {  	v18 =	vld.idx.msk [tilespmem:v20+s23+$0x0], $0xffff;
	_ =	sdelay $0x5  }
0x1e4: {  	[tilespmem:s15+$0x180] =	vst v18  }
0x1e5: {  	v18 =	vld.idx.msk [tilespmem:v31+s23+$0x0], $0xffff;
	_ =	sdelay $0x5  }
0x1e6: {  	[tilespmem:s15+$0x200] =	vst v18  }
0x1e7: {  	v18 =	vld.idx.msk [tilespmem:v32+s23+$0x0], $0xffff;
	_ =	sdelay $0x5  }
0x1e8: {  	[tilespmem:s15+$0x280] =	vst v18  }
0x1e9: {  	v18 =	vld.idx.msk [tilespmem:v33+s23+$0x0], $0xffff;
	_ =	sdelay $0x2  }
.Ltmp4:
0x1ea: {  	(pc) =	sbr.rel @p0 .LBB2_10-.Ltmp4, $3  }
0x1eb: {  	_ =	sdelay $0x1  }
0x1ec: {  	[tilespmem:s15+$0x300] =	vst v18  }
0x1ed: {  	v17 =	vld.idx.msk [tilespmem:v17+s23+$0x0], $0xffff  }
0x1ee: {  	_ =	sdelay $0x3  }
0x1ef: {  	s14 =	rddreg [dreg:$0x4];
	[tilespmem:s15+$0x380] =	vst v17  }
0x1f0: {  	[hbm4b:s14+s21] =	stream.strided.scatter [tilespmem:s1], [sflag:$0x4], $0x800, s13, s21, $0x38;
	[tilespmem:$0x19B00] =	vst v63  }
0x1f1: {  	_ =	swait.ge [sflag:s19], $0x800  }
0x1f2: {  	[sflag:s19] =	ssyncset.done $0x0  }
0x1f3: {  	s18 =	simm.s32 $0x3;
	[sflag:s19] =	ssyncadd.s32 $0xFFFFF800  }
0x1f4: {  	_ =	swait.ge [sflag:s18], $0x6800  }
0x1f5: {  	[sflag:s18] =	ssyncset.done $0x0  }
0x1f6: {  	s24 =	simm.s32 $0x11F80;
	[sflag:s18] =	ssyncadd.s32 $0xFFFF9800  }
0x1f7: {  	v17 =	vld [tilespmem:s24+$0x0];
	_ =	sdelay $0x1  }
0x1f8: {  	s25 =	simm.s32 $0x0  }
0x1f9: {  	v18 =	vmov s25  }
0x1fa: {  	v18 =	vshll.u32 v18, $0x4  }
0x1fb: {  	v18 =	vor.u32 v16, v18;
	v19 =	vand.u32 $0xFFFFFFF8, v17  }
0x1fc: {  	v17 =	vand.u32 $0x7, v17;
	v18 =	vadd.s32 v18, v19  }
0x1fd: {  	v17 =	vor.u32 v17, v18;
	_ =	sdelay $0x4  }
0x1fe: {  	v17 =	vld.idx.msk [tilespmem:v17+s22+$0x0], $0xffff;
	_ =	sdelay $0x3  }
0x1ff: {  	s14 =	simm.s32 $0x18E00  }
0x200: {  	s15 =	simm.s32 $0x11F90;
	[tilespmem:s14+$0x0] =	vst v17  }
0x201: {  	s25 =	simm.s32 $0x11900;
	s18 =	simm.s32 $0x10;
	s24 =	simm.s32 $0x20;
	v17 =	vld [tilespmem:s15+$0x0]  }
.LBB2_12:
0x202: {  	p0 =	sne.s32 s24, $0x670;
	_ =	sdelay $0x1  }
0x203: {  	v18 =	vmov s18;
	s18 =	smov.u32 s24  }
0x204: {  	v18 =	vshll.u32 v18, $0x4  }
0x205: {  	v18 =	vor.u32 v16, v18;
	v19 =	vand.u32 $0xFFFFFFF8, v17  }
0x206: {  	v17 =	vand.u32 $0x7, v17;
	v18 =	vadd.s32 v18, v19  }
0x207: {  	v17 =	vor.u32 v17, v18;
	_ =	sdelay $0x4  }
0x208: {  	v17 =	vld.idx.msk [tilespmem:v17+s22+$0x0], $0xffff;
	_ =	sdelay $0x2  }
.Ltmp5:
0x209: {  	(pc) =	sbr.rel @p0 .LBB2_12-.Ltmp5, $4  }
0x20a: {  	_ = 	snop  }
0x20b: {  	s14 =	sadd.s32 $0x10, s14  }
0x20c: {  	s15 =	sadd.s32 $0x10, s15;
	[tilespmem:s14+$0x0] =	vst v17  }
0x20d: {  	s24 =	sadd.s32 $0x10, s24;
	v17 =	vld [tilespmem:s15+$0x0]  }
0x20e: {  	_ =	sdelay $0x1  }
0x20f: {  	v18 =	vmov s18  }
0x210: {  	v18 =	vshll.u32 v18, $0x4  }
0x211: {  	v18 =	vor.u32 v16, v18;
	v19 =	vand.u32 $0xFFFFFFF8, v17  }
0x212: {  	v17 =	vand.u32 $0x7, v17;
	v18 =	vadd.s32 v18, v19  }
0x213: {  	v17 =	vor.u32 v17, v18;
	_ =	sdelay $0x4  }
0x214: {  	v17 =	vld.idx.msk [tilespmem:v17+s22+$0x0], $0xffff;
	_ =	sdelay $0x3  }
0x215: {  	s14 =	sadd.s32 $0x10, s14  }
0x216: {  	s15 =	rddreg [dreg:$0x5];
	[tilespmem:s14+$0x0] =	vst v17;
	s14 =	simm.s32 $0x0  }
0x217: {  	[tilespmem:s25], [sflag:$0x4] =	stream.linear.gather [hbm4b:s15+s14], $0x680, $0x38;
	[tilespmem:$0x19B00] =	vst v63  }
0x218: {  	_ =	swait.ge [sflag:s19], $0x680  }
0x219: {  	[sflag:s19] =	ssyncset.done $0x0  }
0x21a: {  	s15 =	simm.s32 $0x11F80;
	s16 =	rddreg [dreg:$0x6];
	[sflag:s19] =	ssyncadd.s32 $0xFFFFF980  }
0x21b: {  	[tilespmem:s15], [sflag:$0x4] =	stream.linear.gather [hbm4b:s16+s14], $0x680, $0x38;
	[tilespmem:$0x19B00] =	vst v63  }
0x21c: {  	_ =	swait.ge [sflag:s19], $0x680  }
0x21d: {  	[sflag:s19] =	ssyncset.done $0x0  }
0x21e: {  	[sflag:s19] =	ssyncadd.s32 $0xFFFFF980  }
0x21f: {  	[tilespmem:s22], [sflag:$0x3] =	stream.indirect.gather [hbm4b:s6+s21], $0x10, s25, s21, $0xb8;
	[tilespmem:$0x19B00] =	vst v63  }
0x220: {  	s24 =	simm.s32 $0x12E00;
	s16 =	simm.s32 $0x11980  }
0x221: {  	[tilespmem:s24], [sflag:$0x3] =	stream.indirect.gather [hbm4b:s6+s21], $0x10, s16, s21, $0xb8;
	[tilespmem:$0x19B00] =	vst v63  }
0x222: {  	s18 =	simm.s32 $0x11A00;
	s24 =	simm.s32 $0x13600  }
0x223: {  	[tilespmem:s24], [sflag:$0x3] =	stream.indirect.gather [hbm4b:s6+s21], $0x10, s18, s21, $0xb8;
	[tilespmem:$0x19B00] =	vst v63  }
0x224: {  	s18 =	simm.s32 $0x11A80;
	s24 =	simm.s32 $0x13E00  }
0x225: {  	[tilespmem:s24], [sflag:$0x3] =	stream.indirect.gather [hbm4b:s6+s21], $0x10, s18, s21, $0xb8;
	[tilespmem:$0x19B00] =	vst v63  }
0x226: {  	s18 =	simm.s32 $0x11B00;
	s24 =	simm.s32 $0x14600  }
0x227: {  	[tilespmem:s24], [sflag:$0x3] =	stream.indirect.gather [hbm4b:s6+s21], $0x10, s18, s21, $0xb8;
	[tilespmem:$0x19B00] =	vst v63  }
0x228: {  	s18 =	simm.s32 $0x11B80;
	s24 =	simm.s32 $0x14E00  }
0x229: {  	[tilespmem:s24], [sflag:$0x3] =	stream.indirect.gather [hbm4b:s6+s21], $0x10, s18, s21, $0xb8;
	[tilespmem:$0x19B00] =	vst v63  }
0x22a: {  	s18 =	simm.s32 $0x11C00;
	s24 =	simm.s32 $0x15600  }
0x22b: {  	[tilespmem:s24], [sflag:$0x3] =	stream.indirect.gather [hbm4b:s6+s21], $0x10, s18, s21, $0xb8;
	[tilespmem:$0x19B00] =	vst v63  }
0x22c: {  	s18 =	simm.s32 $0x11C80;
	s24 =	simm.s32 $0x15E00  }
0x22d: {  	[tilespmem:s24], [sflag:$0x3] =	stream.indirect.gather [hbm4b:s6+s21], $0x10, s18, s21, $0xb8;
	[tilespmem:$0x19B00] =	vst v63  }
0x22e: {  	s18 =	simm.s32 $0x11D00;
	s24 =	simm.s32 $0x16600  }
0x22f: {  	[tilespmem:s24], [sflag:$0x3] =	stream.indirect.gather [hbm4b:s6+s21], $0x10, s18, s21, $0xb8;
	[tilespmem:$0x19B00] =	vst v63  }
0x230: {  	s18 =	simm.s32 $0x11D80;
	s24 =	simm.s32 $0x16E00  }
0x231: {  	[tilespmem:s24], [sflag:$0x3] =	stream.indirect.gather [hbm4b:s6+s21], $0x10, s18, s21, $0xb8;
	[tilespmem:$0x19B00] =	vst v63  }
0x232: {  	s18 =	simm.s32 $0x11E00;
	s24 =	simm.s32 $0x17600  }
0x233: {  	[tilespmem:s24], [sflag:$0x3] =	stream.indirect.gather [hbm4b:s6+s21], $0x10, s18, s21, $0xb8;
	[tilespmem:$0x19B00] =	vst v63  }
0x234: {  	s18 =	simm.s32 $0x11E80;
	s24 =	simm.s32 $0x17E00  }
0x235: {  	[tilespmem:s24], [sflag:$0x3] =	stream.indirect.gather [hbm4b:s6+s21], $0x10, s18, s21, $0xb8;
	[tilespmem:$0x19B00] =	vst v63  }
0x236: {  	s18 =	simm.s32 $0x11F00;
	s24 =	simm.s32 $0x18600  }
0x237: {  	[tilespmem:s24], [sflag:$0x3] =	stream.indirect.gather [hbm4b:s6+s21], $0x10, s18, s21, $0xb8;
	[tilespmem:$0x19B00] =	vst v63  }
0x238: {  	s24 =	simm.s32 $0x3  }
0x239: {  	_ =	swait.ge [sflag:s24], $0x6800  }
0x23a: {  	[sflag:s24] =	ssyncset.done $0x0  }
0x23b: {  	[sflag:s24] =	ssyncadd.s32 $0xFFFF9800  }
0x23c: {  	v17 =	vld [tilespmem:s15+$0x0];
	_ =	sdelay $0x2  }
0x23d: {  	v18 =	vmov s14  }
0x23e: {  	v18 =	vshll.u32 v18, $0x4  }
0x23f: {  	v18 =	vor.u32 v16, v18;
	v19 =	vand.u32 $0xFFFFFFF8, v17  }
0x240: {  	v17 =	vand.u32 $0x7, v17;
	v18 =	vadd.s32 v18, v19  }
0x241: {  	v17 =	vor.u32 v17, v18;
	_ =	sdelay $0x4  }
0x242: {  	v17 =	vld.idx.msk [tilespmem:v17+s22+$0x0], $0xffff;
	_ =	sdelay $0x3  }
0x243: {  	s14 =	simm.s32 $0x19480  }
0x244: {  	s15 =	simm.s32 $0x11F90;
	[tilespmem:s14+$0x0] =	vst v17  }
0x245: {  	s18 =	simm.s32 $0x10;
	s24 =	simm.s32 $0x20;
	v17 =	vld [tilespmem:s15+$0x0]  }
.LBB2_14:
0x246: {  	p0 =	sne.s32 s24, $0x670;
	_ =	sdelay $0x1  }
0x247: {  	v18 =	vmov s18;
	s18 =	smov.u32 s24  }
0x248: {  	v18 =	vshll.u32 v18, $0x4  }
0x249: {  	v18 =	vor.u32 v16, v18;
	v19 =	vand.u32 $0xFFFFFFF8, v17  }
0x24a: {  	v17 =	vand.u32 $0x7, v17;
	v18 =	vadd.s32 v18, v19  }
0x24b: {  	v17 =	vor.u32 v17, v18;
	_ =	sdelay $0x4  }
0x24c: {  	v17 =	vld.idx.msk [tilespmem:v17+s22+$0x0], $0xffff;
	_ =	sdelay $0x2  }
.Ltmp6:
0x24d: {  	(pc) =	sbr.rel @p0 .LBB2_14-.Ltmp6, $4  }
0x24e: {  	_ = 	snop  }
0x24f: {  	s14 =	sadd.s32 $0x10, s14  }
0x250: {  	s15 =	sadd.s32 $0x10, s15;
	[tilespmem:s14+$0x0] =	vst v17  }
0x251: {  	s24 =	sadd.s32 $0x10, s24;
	v17 =	vld [tilespmem:s15+$0x0]  }
0x252: {  	_ =	sdelay $0x1  }
0x253: {  	v18 =	vmov s18  }
0x254: {  	v18 =	vshll.u32 v18, $0x4  }
0x255: {  	v18 =	vor.u32 v16, v18;
	v19 =	vand.u32 $0xFFFFFFF8, v17  }
0x256: {  	v17 =	vand.u32 $0x7, v17;
	v18 =	vadd.s32 v18, v19  }
0x257: {  	v17 =	vor.u32 v17, v18;
	_ =	sdelay $0x4  }
0x258: {  	v17 =	vld.idx.msk [tilespmem:v17+s22+$0x0], $0xffff;
	_ =	sdelay $0x3  }
0x259: {  	s14 =	sadd.s32 $0x10, s14  }
0x25a: {  	s24 =	rddreg [dreg:$0x7];
	s15 =	simm.s32 $0x18E00;
	[tilespmem:s14+$0x0] =	vst v17  }
0x25b: {  	[hbm4b:s24+s2] =	stream.linear.scatter [tilespmem:s15], [sflag:$0x4], $0xD00, $0x38;
	[tilespmem:$0x19B00] =	vst v63  }
0x25c: {  	_ =	swait.ge [sflag:s19], $0xD00  }
0x25d: {  	s18 =	rddreg [dreg:$0x9]  }
0x25e: {  	s24 =	rddreg [dreg:$0x8];
	s15 =	sadd.s32 $0x1, s18  }
0x25f: {  	p0 =	sne.s32 s15, s24  }
.Ltmp7:
0x260: {  	_ = 	snop;
	(pc) =	sbr.rel @p0 .LBB2_1-.Ltmp7, $3  }
0x261: {  	_ =	sdelay $0x1  }
0x262: {  	[sflag:s19] =	ssyncset.done $0x0  }
0x263: {  	[sflag:s19] =	ssyncadd.s32 $0xFFFFF300  }
0x264: {  	_ =	sfence.sel $0x180000  }
0x265: {  	[bflag:$0x0] =	sbarrier.arrive $0xFFFF  }
0x266: {  	_ =	strace $0x90000047  }
0x267: {  	s0 =	stileid.u32;
	[bflag:$0x2] =	sbarrier.arrive $0xFFFF  }
0x268: {  	p0 =	sne.s32 s0, $0x0;
	s0 =	rddreg [dreg:$0x1]  }
0x269: {  	s0 =	sadd.s32 @!p0 $0x100000, s0  }
0x26a: {  	[sflag:s0] =	ssyncadd.tile.s32 @!p0 $0x1;
	_ =	shalt  }
.Lfunc_end2:
_tile_overlayer_lowered:
.L_overlay_start_2:
0x26b: {  	(tag) =	ssettag $0x2  }
0x26c: {  	s0 =	rddreg [dreg:$0x0];
	s2 =	stileid.u32  }
0x26d: {  	s1 =	rddreg [dreg:$0x1];
	p0 =	sne.s32 s2, $0x0  }
0x26e: {  	s3 =	rddreg [dreg:$0x2];
	[bflag:$0x3] =	sbarrier.arrive $0xFFFF;
	s2 =	simm.s32 @!p0 $0x1C04  }
0x26f: {  	[timem:s3], [sflag:s2] =	dma.local @!p0 [hbm:s0], s1  }
0x270: {  	s0 =	simm.s32 @!p0 $0x4  }
0x271: {  	_ =	swait.ge @!p0 [sflag:s0], s1  }
0x272: {  	s1 =	ssub.s32 @!p0 $0x0, s1;
	[sflag:s0] =	ssyncset.done @!p0 $0x0  }
0x273: {  	[sflag:s0] =	ssyncadd.s32 @!p0 s1  }
0x274: {  	[bflag:$0x3] =	sbarrier.arrive $0xFFFF  }
0x275: {  	_ =	shalt  }

</sc_bundles>
